<compile_context>
chip_gen: v7x
topology: tpu7x:2x2x1
jax: 0.10.2.dev20260603
libtpu: 0.0.44.dev20260713+nightly
codegen_flags: <defaults>
</compile_context>

<pallas_src>
import functools

import jax
import jax.numpy as jnp
from jax import lax
from jax.experimental import pallas as pl
from jax.experimental.pallas import tpu as pltpu
from jax.experimental.pallas import tpu_sc as plsc

_N = 16777216
_K = _N // 100
_NTILES = 32
_PER_TILE = _N // _NTILES
_L1B = 2048
_L2B = 1024
_L3B = 1024
_UNROLL = 8
_SIG_HI = 0.9933071490757153
_SIG_LO = 0.006692850924284856

_mesh = plsc.VectorSubcoreMesh(core_axis_name="c", subcore_axis_name="s")
_params = pltpu.CompilerParams(needs_layout_passes=False)


def _wid():
    return lax.axis_index("s") * 2 + lax.axis_index("c")


def _zero_vmem(ref, nwords):
    z = jnp.zeros((16,), jnp.int32)

    @plsc.parallel_loop(0, nwords // 16, unroll=_UNROLL)
    def body(i):
        ref[pl.ds(i * 16, 16)] = z


def _pipeline(base, chunk, nchunks, ins, outs, compute):

    def start_in(ci, b):
        off = base + ci * chunk
        for hbm, bufs, sems in ins:
            pltpu.async_copy(hbm.at[pl.ds(off, chunk)], bufs[b], sems[b])

    for b in range(2):
        start_in(b, b)

    def pair(cp, c):
        for b in range(2):
            ci = cp * 2 + b
            for hbm, bufs, sems in ins:
                pltpu.make_async_copy(
                    hbm.at[pl.ds(0, chunk)], bufs[b], sems[b]
                ).wait()

            @pl.when(cp > 0)
            def _():
                for hbm, bufs, sems in outs:
                    pltpu.make_async_copy(
                        bufs[b], hbm.at[pl.ds(0, chunk)], sems[b]
                    ).wait()

            compute(b, ci)
            off = base + ci * chunk
            for hbm, bufs, sems in outs:
                pltpu.async_copy(bufs[b], hbm.at[pl.ds(off, chunk)], sems[b])

            @pl.when(ci + 2 < nchunks)
            def _():
                start_in(ci + 2, b)
        return c

    lax.fori_loop(0, nchunks // 2, pair, 0)
    for b in range(2):
        for hbm, bufs, sems in outs:
            pltpu.make_async_copy(bufs[b], hbm.at[pl.ds(0, chunk)], sems[b]).wait()


_P1_CHUNK = 8192


@functools.partial(
    pl.kernel,
    mesh=_mesh,
    compiler_params=_params,
    out_type=[
        jax.ShapeDtypeStruct((_N,), jnp.float32),
        jax.ShapeDtypeStruct((_NTILES, 16 * _L1B), jnp.int32),
    ],
    scratch_types=[
        pltpu.VMEM((_P1_CHUNK,), jnp.float32),
        pltpu.VMEM((_P1_CHUNK,), jnp.float32),
        pltpu.VMEM((_P1_CHUNK,), jnp.float32),
        pltpu.VMEM((_P1_CHUNK,), jnp.float32),
        pltpu.VMEM((_P1_CHUNK,), jnp.float32),
        pltpu.VMEM((_P1_CHUNK,), jnp.float32),
        pltpu.VMEM((16 * _L1B,), jnp.int32),
        pltpu.SemaphoreType.DMA,
        pltpu.SemaphoreType.DMA,
        pltpu.SemaphoreType.DMA,
        pltpu.SemaphoreType.DMA,
        pltpu.SemaphoreType.DMA,
        pltpu.SemaphoreType.DMA,
    ],
)
def _pass1(
    p_hbm, f_hbm, tv_hbm, hist_hbm,
    pb0, pb1, fb0, fb1, tb0, tb1, histv,
    sp0, sp1, sf0, sf1, so0, so1,
):
    wid = _wid()
    base = wid * _PER_TILE
    lane = lax.iota(jnp.int32, 16)
    ones = jnp.ones((16,), jnp.int32)
    _zero_vmem(histv, 16 * _L1B)
    pbufs, fbufs, tbufs = [pb0, pb1], [fb0, fb1], [tb0, tb1]

    def compute(b, ci):
        pbuf, fbuf, tbuf = pbufs[b], fbufs[b], tbufs[b]

        @plsc.parallel_loop(0, _P1_CHUNK // 16, unroll=_UNROLL)
        def vec(i):
            s = i * 16
            tvv = fbuf[pl.ds(s, 16)] - pbuf[pl.ds(s, 16)]
            tbuf[pl.ds(s, 16)] = tvv
            w = plsc.bitcast(tvv, jnp.int32) & jnp.int32(0x7FFFFFFF)
            plsc.addupdate_scatter(histv, [((w >> 20) << 4) + lane], ones)

    _pipeline(
        base, _P1_CHUNK, _PER_TILE // _P1_CHUNK,
        [(p_hbm, pbufs, [sp0, sp1]), (f_hbm, fbufs, [sf0, sf1])],
        [(tv_hbm, tbufs, [so0, so1])],
        compute,
    )
    pltpu.sync_copy(histv, hist_hbm.at[wid])


_PH_CHUNK = 32768


def _masked_hist_kernel(shift_mask, shift_bucket, nbins):

    @functools.partial(
        pl.kernel,
        mesh=_mesh,
        compiler_params=_params,
        out_type=jax.ShapeDtypeStruct((_NTILES, 16 * nbins), jnp.int32),
        scratch_types=[
            pltpu.VMEM((_PH_CHUNK,), jnp.float32),
            pltpu.VMEM((_PH_CHUNK,), jnp.float32),
            pltpu.VMEM((16,), jnp.int32),
            pltpu.VMEM((16 * nbins,), jnp.int32),
            pltpu.SemaphoreType.DMA,
            pltpu.SemaphoreType.DMA,
        ],
    )
    def _pass(tv_hbm, sel_hbm, hist_hbm, tb0, tb1, selv, histv, s0, s1):
        wid = _wid()
        base = wid * _PER_TILE
        lane = lax.iota(jnp.int32, 16)
        ones = jnp.ones((16,), jnp.int32)
        _zero_vmem(histv, 16 * nbins)
        pltpu.sync_copy(sel_hbm, selv)
        prefix = selv[...]
        tbufs = [tb0, tb1]

        def compute(b, ci):
            tbuf = tbufs[b]

            @plsc.parallel_loop(0, _PH_CHUNK // 16, unroll=_UNROLL)
            def vec(i):
                s = i * 16
                w = plsc.bitcast(tbuf[pl.ds(s, 16)], jnp.int32) & jnp.int32(
                    0x7FFFFFFF
                )
                mask = (w >> shift_mask) == prefix
                idx = (((w >> shift_bucket) & jnp.int32(nbins - 1)) << 4) + lane
                plsc.addupdate_scatter(histv, [idx], ones, mask=mask)

        _pipeline(
            base, _PH_CHUNK, _PER_TILE // _PH_CHUNK,
            [(tv_hbm, tbufs, [s0, s1])], [], compute,
        )
        pltpu.sync_copy(histv, hist_hbm.at[wid])

    return _pass


_pass2 = _masked_hist_kernel(20, 10, _L2B)
_pass3 = _masked_hist_kernel(10, 0, _L3B)


_P4_CHUNK = 16384


@functools.partial(
    pl.kernel,
    mesh=_mesh,
    compiler_params=_params,
    out_type=jax.ShapeDtypeStruct((_N,), jnp.float32),
    scratch_types=[
        pltpu.VMEM((_P4_CHUNK,), jnp.float32),
        pltpu.VMEM((_P4_CHUNK,), jnp.float32),
        pltpu.VMEM((_P4_CHUNK,), jnp.float32),
        pltpu.VMEM((_P4_CHUNK,), jnp.float32),
        pltpu.VMEM((16,), jnp.int32),
        pltpu.SemaphoreType.DMA,
        pltpu.SemaphoreType.DMA,
        pltpu.SemaphoreType.DMA,
        pltpu.SemaphoreType.DMA,
    ],
)
def _pass4(tv_hbm, thr_hbm, out_hbm, tb0, tb1, ob0, ob1, thrv, si0, si1, so0, so1):
    wid = _wid()
    base = wid * _PER_TILE
    hi = jnp.full((16,), _SIG_HI, jnp.float32)
    lo = jnp.full((16,), _SIG_LO, jnp.float32)
    pltpu.sync_copy(thr_hbm, thrv)
    uthr = thrv[...]
    tbufs, obufs = [tb0, tb1], [ob0, ob1]

    def compute(b, ci):
        tbuf, obuf = tbufs[b], obufs[b]

        @plsc.parallel_loop(0, _P4_CHUNK // 16, unroll=_UNROLL)
        def vec(i):
            s = i * 16
            tvv = tbuf[pl.ds(s, 16)]
            w = plsc.bitcast(tvv, jnp.int32) & jnp.int32(0x7FFFFFFF)
            obuf[pl.ds(s, 16)] = tvv * jnp.where(w > uthr, hi, lo)

    _pipeline(
        base, _P4_CHUNK, _PER_TILE // _P4_CHUNK,
        [(tv_hbm, tbufs, [si0, si1])],
        [(out_hbm, obufs, [so0, so1])],
        compute,
    )


def _select(hist, krem):
    tail = jnp.cumsum(hist[::-1])[::-1]
    b = jnp.sum((tail >= krem).astype(jnp.int32)) - 1
    above = tail[b] - hist[b]
    return b, krem - above


def kernel(pretrained, finetuned):
    tv, h1_tiles = _pass1(pretrained, finetuned)
    h1 = jnp.sum(h1_tiles.reshape(_NTILES, _L1B, 16), axis=(0, 2))
    b1, k1 = _select(h1, jnp.int32(_K))

    sel1 = jnp.full((16,), b1, jnp.int32)
    h2_tiles = _pass2(tv, sel1)
    h2 = jnp.sum(h2_tiles.reshape(_NTILES, _L2B, 16), axis=(0, 2))
    b2, k2 = _select(h2, k1)

    sel2 = jnp.full((16,), (b1 << 10) | b2, jnp.int32)
    h3_tiles = _pass3(tv, sel2)
    h3 = jnp.sum(h3_tiles.reshape(_NTILES, _L3B, 16), axis=(0, 2))
    b3, k3 = _select(h3, k2)

    uthr = (b1 << 20) | (b2 << 10) | b3
    thr_vec = jnp.full((16,), uthr, jnp.int32)
    masked_delta = _pass4(tv, thr_vec)

    cnt_gt = jnp.int32(_K) - k3
    prop = 5.0 * (2.0 * cnt_gt.astype(jnp.float32) - float(_N)) / float(_N)
    return masked_delta, prop

# --- scband reference (transcript-rebuilt; emitter-appended) ---
"""Pipeline reference for scband-localiser2-34772055229064 (READ-ONLY COPY).

The authoritative reference and input builder live on the scoring server;
editing this copy changes nothing except your own understanding.
"""

import jax, jax.numpy as jnp
import numpy as np

SPARSITY = 0.01
SIGMOID_BIAS = 5.0
N = 16777216

def setup_inputs(seed: int = 0) -> dict:
    key = jax.random.key(seed)
    k1, k2 = jax.random.split(key)
    pretrained = jax.random.normal(k1, (N,), dtype=jnp.float32)
    finetuned = jax.random.normal(k2, (N,), dtype=jnp.float32)
    return {"pretrained": pretrained, "finetuned": finetuned}

def reference(pretrained, finetuned):
    # task vector = finetuned - pretrained (per Localiser.__init__)
    tv = finetuned - pretrained
    abs_tv = jnp.abs(tv)
    # create_basepatch: top-k sparsity threshold over |task vector|
    k = int(SPARSITY * abs_tv.shape[0])
    topk_vals, _ = jax.lax.top_k(abs_tv, k)
    threshold = topk_vals[-1]
    # mask initialized to +/- sigmoid_bias based on threshold
    mask = jnp.where(abs_tv > threshold,
                     jnp.full_like(tv, SIGMOID_BIAS),
                     jnp.full_like(tv, -SIGMOID_BIAS))
    # interpolate_state_dict (round_=False): soft mask via sigmoid
    frac = jax.nn.sigmoid(mask)
    masked_delta = tv * frac
    # prop = sum of mask values / num_params (as in interpolate_state_dict)
    prop = mask.sum() / jnp.asarray(tv.size, dtype=jnp.float32)
    return masked_delta, prop

if __name__ == "__main__":
    import jax
    _d = setup_inputs()
    print(jax.jit(kernel)(*tuple(_d.values())))

</pallas_src>

<mosaic_0001>
#map = affine_map<(d0, d1) -> (0)>
#map1 = affine_map<(d0, d1) -> (0, 0)>
module attributes {stable_mosaic.version = 14 : i64} {
  func.func @_pass1(%arg0: i32, %arg1: i32, %arg2: memref<16777216xf32, #tpu.memory_space<hbm>>, %arg3: memref<16777216xf32, #tpu.memory_space<hbm>>, %arg4: memref<16777216xf32, #tpu.memory_space<hbm>>, %arg5: memref<32x32768xi32, #tpu.memory_space<hbm>>, %arg6: memref<8192xf32, #tpu.memory_space<vmem>>, %arg7: memref<8192xf32, #tpu.memory_space<vmem>>, %arg8: memref<8192xf32, #tpu.memory_space<vmem>>, %arg9: memref<8192xf32, #tpu.memory_space<vmem>>, %arg10: memref<8192xf32, #tpu.memory_space<vmem>>, %arg11: memref<8192xf32, #tpu.memory_space<vmem>>, %arg12: memref<32768xi32, #tpu.memory_space<vmem>>, %arg13: memref<!tpu.dma_semaphore, #tpu.memory_space<semaphore_mem>>, %arg14: memref<!tpu.dma_semaphore, #tpu.memory_space<semaphore_mem>>, %arg15: memref<!tpu.dma_semaphore, #tpu.memory_space<semaphore_mem>>, %arg16: memref<!tpu.dma_semaphore, #tpu.memory_space<semaphore_mem>>, %arg17: memref<!tpu.dma_semaphore, #tpu.memory_space<semaphore_mem>>, %arg18: memref<!tpu.dma_semaphore, #tpu.memory_space<semaphore_mem>>) attributes {dimension_semantics = [#tpu.dimension_semantics<core_parallel>, #tpu.dimension_semantics<subcore_parallel>], iteration_bounds = array<i64: 2, 16>, scalar_prefetch = 0 : i64, scratch_operands = 13 : i64, tpu.core_type = #tpu.core_type<sc_vector_subcore>, window_params = [{transform_indices = #map}, {transform_indices = #map}, {transform_indices = #map}, {transform_indices = #map1}]} {
    %mul3A = arith.constant 2 : i32
    %mul3A_0 = arith.muli %arg1, %mul3A : i32
    %add3A = arith.addi %mul3A_0, %arg0 : i32
    %mul3A_1 = arith.constant 524288 : i32
    %mul3A_2 = arith.muli %add3A, %mul3A_1 : i32
    %iota3A = tpu.iota {dimensions = array<i32: 0>} : vector<16xi32>
    %broadcast_in_dim3A = arith.constant 1 : i32
    %broadcast_in_dim3A_3 = vector.broadcast %broadcast_in_dim3A : i32 to vector<16xi32>
    %broadcast_in_dim3A_4 = arith.constant 0 : i32
    %broadcast_in_dim3A_5 = vector.broadcast %broadcast_in_dim3A_4 : i32 to vector<16xi32>
    %parallel_loop3A = arith.constant 0 : i32
    %parallel_loop3A_6 = arith.constant 2048 : i32
    %parallel_loop3A_7 = arith.constant 1 : i32
    scf.for %parallel_loop3A_31 = %parallel_loop3A to %parallel_loop3A_6 step %parallel_loop3A_7  : i32 {
      %parallel_loop3A_32 = arith.constant 16 : i32
      %parallel_loop3A_33 = arith.muli %parallel_loop3A_31, %parallel_loop3A_32 : i32
      %parallel_loop3A_34 = arith.index_cast %parallel_loop3A_33 : i32 to index
      %parallel_loop3A_35 = tpu.vector_load %arg12[%parallel_loop3A_34] {strides = array<i32>} : memref<32768xi32, #tpu.memory_space<vmem>>, vector<16xi32>,
      tpu.vector_store %arg12[%parallel_loop3A_34], %broadcast_in_dim3A_5 {strides = array<i32>} : memref<32768xi32, #tpu.memory_space<vmem>>, vector<16xi32>,
    } {sc.loop_unroll_factor = 8 : i64, sc.parallel_access}
    %add3A_8 = arith.constant 0 : i32
    %add3A_9 = arith.addi %mul3A_2, %add3A_8 : i32
    %dma_start3A = tpu.memref_slice %arg2[%add3A_9] : memref<16777216xf32, #tpu.memory_space<hbm>> -> memref<8192xf32, #tpu.memory_space<hbm>>
    %dma_start3A_10 = tpu.memref_slice %arg2[%add3A_9] : memref<16777216xf32, #tpu.memory_space<hbm>> -> memref<8192xf32, #tpu.memory_space<hbm>>
    tpu.enqueue_dma source(%dma_start3A_10 : memref<8192xf32, #tpu.memory_space<hbm>>) target(%arg6 : memref<8192xf32, #tpu.memory_space<vmem>>) target_semaphore(%arg13 : memref<!tpu.dma_semaphore, #tpu.memory_space<semaphore_mem>>)
    %dma_start3A_11 = tpu.memref_slice %arg3[%add3A_9] : memref<16777216xf32, #tpu.memory_space<hbm>> -> memref<8192xf32, #tpu.memory_space<hbm>>
    %dma_start3A_12 = tpu.memref_slice %arg3[%add3A_9] : memref<16777216xf32, #tpu.memory_space<hbm>> -> memref<8192xf32, #tpu.memory_space<hbm>>
    tpu.enqueue_dma source(%dma_start3A_12 : memref<8192xf32, #tpu.memory_space<hbm>>) target(%arg8 : memref<8192xf32, #tpu.memory_space<vmem>>) target_semaphore(%arg15 : memref<!tpu.dma_semaphore, #tpu.memory_space<semaphore_mem>>)
    %add3A_13 = arith.constant 8192 : i32
    %add3A_14 = arith.addi %mul3A_2, %add3A_13 : i32
    %dma_start3A_15 = tpu.memref_slice %arg2[%add3A_14] : memref<16777216xf32, #tpu.memory_space<hbm>> -> memref<8192xf32, #tpu.memory_space<hbm>>
    %dma_start3A_16 = tpu.memref_slice %arg2[%add3A_14] : memref<16777216xf32, #tpu.memory_space<hbm>> -> memref<8192xf32, #tpu.memory_space<hbm>>
    tpu.enqueue_dma source(%dma_start3A_16 : memref<8192xf32, #tpu.memory_space<hbm>>) target(%arg7 : memref<8192xf32, #tpu.memory_space<vmem>>) target_semaphore(%arg14 : memref<!tpu.dma_semaphore, #tpu.memory_space<semaphore_mem>>)
    %dma_start3A_17 = tpu.memref_slice %arg3[%add3A_14] : memref<16777216xf32, #tpu.memory_space<hbm>> -> memref<8192xf32, #tpu.memory_space<hbm>>
    %dma_start3A_18 = tpu.memref_slice %arg3[%add3A_14] : memref<16777216xf32, #tpu.memory_space<hbm>> -> memref<8192xf32, #tpu.memory_space<hbm>>
    tpu.enqueue_dma source(%dma_start3A_18 : memref<8192xf32, #tpu.memory_space<hbm>>) target(%arg9 : memref<8192xf32, #tpu.memory_space<vmem>>) target_semaphore(%arg16 : memref<!tpu.dma_semaphore, #tpu.memory_space<semaphore_mem>>)
    %scan3A = arith.constant 0 : i32
    %scan3A_19 = arith.constant 0 : i32
    %scan3A_20 = arith.constant 32 : i32
    %scan3A_21 = arith.addi %scan3A_19, %scan3A_20 : i32
    %scan3A_22 = arith.constant 1 : i32
    scf.for %scan3A_31 = %scan3A_19 to %scan3A_21 step %scan3A_22  : i32 {
      %mul3A_32 = arith.constant 2 : i32
      %mul3A_33 = arith.muli %scan3A_31, %mul3A_32 : i32
      %add3A_34 = arith.constant 0 : i32
      %add3A_35 = arith.addi %mul3A_33, %add3A_34 : i32
      %dma_wait3A_36 = arith.constant 0 : i32
      %dma_wait3A_37 = tpu.memref_slice %arg2[%dma_wait3A_36] : memref<16777216xf32, #tpu.memory_space<hbm>> -> memref<8192xf32, #tpu.memory_space<hbm>>
      %dma_wait3A_38 = arith.constant 0 : i32
      %dma_wait3A_39 = tpu.memref_slice %arg2[%dma_wait3A_38] : memref<16777216xf32, #tpu.memory_space<hbm>> -> memref<8192xf32, #tpu.memory_space<hbm>>
      tpu.wait_dma2 semaphore(%arg13 : memref<!tpu.dma_semaphore, #tpu.memory_space<semaphore_mem>>) src(%dma_wait3A_39 : memref<8192xf32, #tpu.memory_space<hbm>>) dst(%arg6 : memref<8192xf32, #tpu.memory_space<vmem>>)
      %dma_wait3A_40 = arith.constant 0 : i32
      %dma_wait3A_41 = tpu.memref_slice %arg3[%dma_wait3A_40] : memref<16777216xf32, #tpu.memory_space<hbm>> -> memref<8192xf32, #tpu.memory_space<hbm>>
      %dma_wait3A_42 = arith.constant 0 : i32
      %dma_wait3A_43 = tpu.memref_slice %arg3[%dma_wait3A_42] : memref<16777216xf32, #tpu.memory_space<hbm>> -> memref<8192xf32, #tpu.memory_space<hbm>>
      tpu.wait_dma2 semaphore(%arg15 : memref<!tpu.dma_semaphore, #tpu.memory_space<semaphore_mem>>) src(%dma_wait3A_43 : memref<8192xf32, #tpu.memory_space<hbm>>) dst(%arg8 : memref<8192xf32, #tpu.memory_space<vmem>>)
      %gt3A = arith.constant 0 : i32
      %gt3A_44 = arith.cmpi sgt, %scan3A_31, %gt3A : i32
      %convert_element_type3A = arith.extui %gt3A_44 : i1 to i32
      %cond3A = arith.constant 0 : i32
      %cond3A_45 = arith.cmpi ne, %convert_element_type3A, %cond3A : i32
      scf.if %cond3A_45 {
        %dma_wait3A_92 = arith.constant 0 : i32
        %dma_wait3A_93 = tpu.memref_slice %arg4[%dma_wait3A_92] : memref<16777216xf32, #tpu.memory_space<hbm>> -> memref<8192xf32, #tpu.memory_space<hbm>>
        %dma_wait3A_94 = arith.constant 0 : i32
        %dma_wait3A_95 = tpu.memref_slice %arg4[%dma_wait3A_94] : memref<16777216xf32, #tpu.memory_space<hbm>> -> memref<8192xf32, #tpu.memory_space<hbm>>
        tpu.wait_dma2 semaphore(%arg17 : memref<!tpu.dma_semaphore, #tpu.memory_space<semaphore_mem>>) src(%arg10 : memref<8192xf32, #tpu.memory_space<vmem>>) dst(%dma_wait3A_95 : memref<8192xf32, #tpu.memory_space<hbm>>)
      } else {
      }
      %parallel_loop3A_46 = arith.constant 0 : i32
      %parallel_loop3A_47 = arith.constant 512 : i32
      %parallel_loop3A_48 = arith.constant 1 : i32
      scf.for %parallel_loop3A_92 = %parallel_loop3A_46 to %parallel_loop3A_47 step %parallel_loop3A_48  : i32 {
        %parallel_loop3A_93 = arith.constant 16 : i32
        %parallel_loop3A_94 = arith.muli %parallel_loop3A_92, %parallel_loop3A_93 : i32
        %parallel_loop3A_95 = arith.index_cast %parallel_loop3A_94 : i32 to index
        %parallel_loop3A_96 = tpu.vector_load %arg8[%parallel_loop3A_95] {strides = array<i32>} : memref<8192xf32, #tpu.memory_space<vmem>>, vector<16xf32>,
        %parallel_loop3A_97 = arith.index_cast %parallel_loop3A_94 : i32 to index
        %parallel_loop3A_98 = tpu.vector_load %arg6[%parallel_loop3A_97] {strides = array<i32>} : memref<8192xf32, #tpu.memory_space<vmem>>, vector<16xf32>,
        %parallel_loop3A_99 = arith.subf %parallel_loop3A_96, %parallel_loop3A_98 : vector<16xf32>
        %parallel_loop3A_100 = arith.index_cast %parallel_loop3A_94 : i32 to index
        %parallel_loop3A_101 = tpu.vector_load %arg10[%parallel_loop3A_100] {strides = array<i32>} : memref<8192xf32, #tpu.memory_space<vmem>>, vector<16xf32>,
        tpu.vector_store %arg10[%parallel_loop3A_100], %parallel_loop3A_99 {strides = array<i32>} : memref<8192xf32, #tpu.memory_space<vmem>>, vector<16xf32>,
        %parallel_loop3A_102 = vector.bitcast %parallel_loop3A_99 : vector<16xf32> to vector<16xi32>
        %parallel_loop3A_103 = arith.constant 2147483647 : i32
        %parallel_loop3A_104 = vector.broadcast %parallel_loop3A_103 : i32 to vector<16xi32>
        %parallel_loop3A_105 = arith.andi %parallel_loop3A_102, %parallel_loop3A_104 : vector<16xi32>
        %parallel_loop3A_106 = arith.constant 20 : i32
        %parallel_loop3A_107 = vector.broadcast %parallel_loop3A_106 : i32 to vector<16xi32>
        %parallel_loop3A_108 = arith.shrsi %parallel_loop3A_105, %parallel_loop3A_107 : vector<16xi32>
        %parallel_loop3A_109 = arith.constant 4 : i32
        %parallel_loop3A_110 = vector.broadcast %parallel_loop3A_109 : i32 to vector<16xi32>
        %parallel_loop3A_111 = arith.shli %parallel_loop3A_108, %parallel_loop3A_110 : vector<16xi32>
        %parallel_loop3A_112 = arith.addi %parallel_loop3A_111, %iota3A : vector<16xi32>
        tpu.vector_store_idx %arg12[%parallel_loop3A_112], %broadcast_in_dim3A_3 {add = true} : memref<32768xi32, #tpu.memory_space<vmem>>[vector<16xi32>], vector<16xi32>,
      } {sc.loop_unroll_factor = 8 : i64, sc.parallel_access}
      %mul3A_49 = arith.constant 8192 : i32
      %mul3A_50 = arith.muli %add3A_35, %mul3A_49 : i32
      %add3A_51 = arith.addi %mul3A_2, %mul3A_50 : i32
      %dma_start3A_52 = tpu.memref_slice %arg4[%add3A_51] : memref<16777216xf32, #tpu.memory_space<hbm>> -> memref<8192xf32, #tpu.memory_space<hbm>>
      %dma_start3A_53 = tpu.memref_slice %arg4[%add3A_51] : memref<16777216xf32, #tpu.memory_space<hbm>> -> memref<8192xf32, #tpu.memory_space<hbm>>
      tpu.enqueue_dma source(%arg10 : memref<8192xf32, #tpu.memory_space<vmem>>) target(%dma_start3A_53 : memref<8192xf32, #tpu.memory_space<hbm>>) target_semaphore(%arg17 : memref<!tpu.dma_semaphore, #tpu.memory_space<semaphore_mem>>)
      %add3A_54 = arith.constant 2 : i32
      %add3A_55 = arith.addi %add3A_35, %add3A_54 : i32
      %lt3A = arith.constant 64 : i32
      %lt3A_56 = arith.cmpi slt, %add3A_55, %lt3A : i32
      %convert_element_type3A_57 = arith.extui %lt3A_56 : i1 to i32
      %cond3A_58 = arith.constant 0 : i32
      %cond3A_59 = arith.cmpi ne, %convert_element_type3A_57, %cond3A_58 : i32
      scf.if %cond3A_59 {
        %add3A_92 = arith.constant 2 : i32
        %add3A_93 = arith.addi %add3A_35, %add3A_92 : i32
        %mul3A_94 = arith.constant 8192 : i32
        %mul3A_95 = arith.muli %add3A_93, %mul3A_94 : i32
        %add3A_96 = arith.addi %mul3A_2, %mul3A_95 : i32
        %dma_start3A_97 = tpu.memref_slice %arg2[%add3A_96] : memref<16777216xf32, #tpu.memory_space<hbm>> -> memref<8192xf32, #tpu.memory_space<hbm>>
        %dma_start3A_98 = tpu.memref_slice %arg2[%add3A_96] : memref<16777216xf32, #tpu.memory_space<hbm>> -> memref<8192xf32, #tpu.memory_space<hbm>>
        tpu.enqueue_dma source(%dma_start3A_98 : memref<8192xf32, #tpu.memory_space<hbm>>) target(%arg6 : memref<8192xf32, #tpu.memory_space<vmem>>) target_semaphore(%arg13 : memref<!tpu.dma_semaphore, #tpu.memory_space<semaphore_mem>>)
        %dma_start3A_99 = tpu.memref_slice %arg3[%add3A_96] : memref<16777216xf32, #tpu.memory_space<hbm>> -> memref<8192xf32, #tpu.memory_space<hbm>>
        %dma_start3A_100 = tpu.memref_slice %arg3[%add3A_96] : memref<16777216xf32, #tpu.memory_space<hbm>> -> memref<8192xf32, #tpu.memory_space<hbm>>
        tpu.enqueue_dma source(%dma_start3A_100 : memref<8192xf32, #tpu.memory_space<hbm>>) target(%arg8 : memref<8192xf32, #tpu.memory_space<vmem>>) target_semaphore(%arg15 : memref<!tpu.dma_semaphore, #tpu.memory_space<semaphore_mem>>)
      } else {
      }
      %mul3A_60 = arith.constant 2 : i32
      %mul3A_61 = arith.muli %scan3A_31, %mul3A_60 : i32
      %add3A_62 = arith.constant 1 : i32
      %add3A_63 = arith.addi %mul3A_61, %add3A_62 : i32
      %dma_wait3A_64 = arith.constant 0 : i32
      %dma_wait3A_65 = tpu.memref_slice %arg2[%dma_wait3A_64] : memref<16777216xf32, #tpu.memory_space<hbm>> -> memref<8192xf32, #tpu.memory_space<hbm>>
      %dma_wait3A_66 = arith.constant 0 : i32
      %dma_wait3A_67 = tpu.memref_slice %arg2[%dma_wait3A_66] : memref<16777216xf32, #tpu.memory_space<hbm>> -> memref<8192xf32, #tpu.memory_space<hbm>>
      tpu.wait_dma2 semaphore(%arg14 : memref<!tpu.dma_semaphore, #tpu.memory_space<semaphore_mem>>) src(%dma_wait3A_67 : memref<8192xf32, #tpu.memory_space<hbm>>) dst(%arg7 : memref<8192xf32, #tpu.memory_space<vmem>>)
      %dma_wait3A_68 = arith.constant 0 : i32
      %dma_wait3A_69 = tpu.memref_slice %arg3[%dma_wait3A_68] : memref<16777216xf32, #tpu.memory_space<hbm>> -> memref<8192xf32, #tpu.memory_space<hbm>>
      %dma_wait3A_70 = arith.constant 0 : i32
      %dma_wait3A_71 = tpu.memref_slice %arg3[%dma_wait3A_70] : memref<16777216xf32, #tpu.memory_space<hbm>> -> memref<8192xf32, #tpu.memory_space<hbm>>
      tpu.wait_dma2 semaphore(%arg16 : memref<!tpu.dma_semaphore, #tpu.memory_space<semaphore_mem>>) src(%dma_wait3A_71 : memref<8192xf32, #tpu.memory_space<hbm>>) dst(%arg9 : memref<8192xf32, #tpu.memory_space<vmem>>)
      %gt3A_72 = arith.constant 0 : i32
      %gt3A_73 = arith.cmpi sgt, %scan3A_31, %gt3A_72 : i32
      %convert_element_type3A_74 = arith.extui %gt3A_73 : i1 to i32
      %cond3A_75 = arith.constant 0 : i32
      %cond3A_76 = arith.cmpi ne, %convert_element_type3A_74, %cond3A_75 : i32
      scf.if %cond3A_76 {
        %dma_wait3A_92 = arith.constant 0 : i32
        %dma_wait3A_93 = tpu.memref_slice %arg4[%dma_wait3A_92] : memref<16777216xf32, #tpu.memory_space<hbm>> -> memref<8192xf32, #tpu.memory_space<hbm>>
        %dma_wait3A_94 = arith.constant 0 : i32
        %dma_wait3A_95 = tpu.memref_slice %arg4[%dma_wait3A_94] : memref<16777216xf32, #tpu.memory_space<hbm>> -> memref<8192xf32, #tpu.memory_space<hbm>>
        tpu.wait_dma2 semaphore(%arg18 : memref<!tpu.dma_semaphore, #tpu.memory_space<semaphore_mem>>) src(%arg11 : memref<8192xf32, #tpu.memory_space<vmem>>) dst(%dma_wait3A_95 : memref<8192xf32, #tpu.memory_space<hbm>>)
      } else {
      }
      %parallel_loop3A_77 = arith.constant 0 : i32
      %parallel_loop3A_78 = arith.constant 512 : i32
      %parallel_loop3A_79 = arith.constant 1 : i32
      scf.for %parallel_loop3A_92 = %parallel_loop3A_77 to %parallel_loop3A_78 step %parallel_loop3A_79  : i32 {
        %parallel_loop3A_93 = arith.constant 16 : i32
        %parallel_loop3A_94 = arith.muli %parallel_loop3A_92, %parallel_loop3A_93 : i32
        %parallel_loop3A_95 = arith.index_cast %parallel_loop3A_94 : i32 to index
        %parallel_loop3A_96 = tpu.vector_load %arg9[%parallel_loop3A_95] {strides = array<i32>} : memref<8192xf32, #tpu.memory_space<vmem>>, vector<16xf32>,
        %parallel_loop3A_97 = arith.index_cast %parallel_loop3A_94 : i32 to index
        %parallel_loop3A_98 = tpu.vector_load %arg7[%parallel_loop3A_97] {strides = array<i32>} : memref<8192xf32, #tpu.memory_space<vmem>>, vector<16xf32>,
        %parallel_loop3A_99 = arith.subf %parallel_loop3A_96, %parallel_loop3A_98 : vector<16xf32>
        %parallel_loop3A_100 = arith.index_cast %parallel_loop3A_94 : i32 to index
        %parallel_loop3A_101 = tpu.vector_load %arg11[%parallel_loop3A_100] {strides = array<i32>} : memref<8192xf32, #tpu.memory_space<vmem>>, vector<16xf32>,
        tpu.vector_store %arg11[%parallel_loop3A_100], %parallel_loop3A_99 {strides = array<i32>} : memref<8192xf32, #tpu.memory_space<vmem>>, vector<16xf32>,
        %parallel_loop3A_102 = vector.bitcast %parallel_loop3A_99 : vector<16xf32> to vector<16xi32>
        %parallel_loop3A_103 = arith.constant 2147483647 : i32
        %parallel_loop3A_104 = vector.broadcast %parallel_loop3A_103 : i32 to vector<16xi32>
        %parallel_loop3A_105 = arith.andi %parallel_loop3A_102, %parallel_loop3A_104 : vector<16xi32>
        %parallel_loop3A_106 = arith.constant 20 : i32
        %parallel_loop3A_107 = vector.broadcast %parallel_loop3A_106 : i32 to vector<16xi32>
        %parallel_loop3A_108 = arith.shrsi %parallel_loop3A_105, %parallel_loop3A_107 : vector<16xi32>
        %parallel_loop3A_109 = arith.constant 4 : i32
        %parallel_loop3A_110 = vector.broadcast %parallel_loop3A_109 : i32 to vector<16xi32>
        %parallel_loop3A_111 = arith.shli %parallel_loop3A_108, %parallel_loop3A_110 : vector<16xi32>
        %parallel_loop3A_112 = arith.addi %parallel_loop3A_111, %iota3A : vector<16xi32>
        tpu.vector_store_idx %arg12[%parallel_loop3A_112], %broadcast_in_dim3A_3 {add = true} : memref<32768xi32, #tpu.memory_space<vmem>>[vector<16xi32>], vector<16xi32>,
      } {sc.loop_unroll_factor = 8 : i64, sc.parallel_access}
      %mul3A_80 = arith.constant 8192 : i32
      %mul3A_81 = arith.muli %add3A_63, %mul3A_80 : i32
      %add3A_82 = arith.addi %mul3A_2, %mul3A_81 : i32
      %dma_start3A_83 = tpu.memref_slice %arg4[%add3A_82] : memref<16777216xf32, #tpu.memory_space<hbm>> -> memref<8192xf32, #tpu.memory_space<hbm>>
      %dma_start3A_84 = tpu.memref_slice %arg4[%add3A_82] : memref<16777216xf32, #tpu.memory_space<hbm>> -> memref<8192xf32, #tpu.memory_space<hbm>>
      tpu.enqueue_dma source(%arg11 : memref<8192xf32, #tpu.memory_space<vmem>>) target(%dma_start3A_84 : memref<8192xf32, #tpu.memory_space<hbm>>) target_semaphore(%arg18 : memref<!tpu.dma_semaphore, #tpu.memory_space<semaphore_mem>>)
      %add3A_85 = arith.constant 2 : i32
      %add3A_86 = arith.addi %add3A_63, %add3A_85 : i32
      %lt3A_87 = arith.constant 64 : i32
      %lt3A_88 = arith.cmpi slt, %add3A_86, %lt3A_87 : i32
      %convert_element_type3A_89 = arith.extui %lt3A_88 : i1 to i32
      %cond3A_90 = arith.constant 0 : i32
      %cond3A_91 = arith.cmpi ne, %convert_element_type3A_89, %cond3A_90 : i32
      scf.if %cond3A_91 {
        %add3A_92 = arith.constant 2 : i32
        %add3A_93 = arith.addi %add3A_63, %add3A_92 : i32
        %mul3A_94 = arith.constant 8192 : i32
        %mul3A_95 = arith.muli %add3A_93, %mul3A_94 : i32
        %add3A_96 = arith.addi %mul3A_2, %mul3A_95 : i32
        %dma_start3A_97 = tpu.memref_slice %arg2[%add3A_96] : memref<16777216xf32, #tpu.memory_space<hbm>> -> memref<8192xf32, #tpu.memory_space<hbm>>
        %dma_start3A_98 = tpu.memref_slice %arg2[%add3A_96] : memref<16777216xf32, #tpu.memory_space<hbm>> -> memref<8192xf32, #tpu.memory_space<hbm>>
        tpu.enqueue_dma source(%dma_start3A_98 : memref<8192xf32, #tpu.memory_space<hbm>>) target(%arg7 : memref<8192xf32, #tpu.memory_space<vmem>>) target_semaphore(%arg14 : memref<!tpu.dma_semaphore, #tpu.memory_space<semaphore_mem>>)
        %dma_start3A_99 = tpu.memref_slice %arg3[%add3A_96] : memref<16777216xf32, #tpu.memory_space<hbm>> -> memref<8192xf32, #tpu.memory_space<hbm>>
        %dma_start3A_100 = tpu.memref_slice %arg3[%add3A_96] : memref<16777216xf32, #tpu.memory_space<hbm>> -> memref<8192xf32, #tpu.memory_space<hbm>>
        tpu.enqueue_dma source(%dma_start3A_100 : memref<8192xf32, #tpu.memory_space<hbm>>) target(%arg9 : memref<8192xf32, #tpu.memory_space<vmem>>) target_semaphore(%arg16 : memref<!tpu.dma_semaphore, #tpu.memory_space<semaphore_mem>>)
      } else {
      }
    }
    %scan3A_23 = arith.constant 32 : i32
    %dma_wait3A = arith.constant 0 : i32
    %dma_wait3A_24 = tpu.memref_slice %arg4[%dma_wait3A] : memref<16777216xf32, #tpu.memory_space<hbm>> -> memref<8192xf32, #tpu.memory_space<hbm>>
    %dma_wait3A_25 = arith.constant 0 : i32
    %dma_wait3A_26 = tpu.memref_slice %arg4[%dma_wait3A_25] : memref<16777216xf32, #tpu.memory_space<hbm>> -> memref<8192xf32, #tpu.memory_space<hbm>>
    tpu.wait_dma2 semaphore(%arg17 : memref<!tpu.dma_semaphore, #tpu.memory_space<semaphore_mem>>) src(%arg10 : memref<8192xf32, #tpu.memory_space<vmem>>) dst(%dma_wait3A_26 : memref<8192xf32, #tpu.memory_space<hbm>>)
    %dma_wait3A_27 = arith.constant 0 : i32
    %dma_wait3A_28 = tpu.memref_slice %arg4[%dma_wait3A_27] : memref<16777216xf32, #tpu.memory_space<hbm>> -> memref<8192xf32, #tpu.memory_space<hbm>>
    %dma_wait3A_29 = arith.constant 0 : i32
    %dma_wait3A_30 = tpu.memref_slice %arg4[%dma_wait3A_29] : memref<16777216xf32, #tpu.memory_space<hbm>> -> memref<8192xf32, #tpu.memory_space<hbm>>
    tpu.wait_dma2 semaphore(%arg18 : memref<!tpu.dma_semaphore, #tpu.memory_space<semaphore_mem>>) src(%arg11 : memref<8192xf32, #tpu.memory_space<vmem>>) dst(%dma_wait3A_30 : memref<8192xf32, #tpu.memory_space<hbm>>)
    "tpu.region"() ({
      %run_scoped3A = tpu.sem_alloc : memref<!tpu.dma_semaphore, #tpu.memory_space<semaphore_mem>>
      %dma_start3A_31 = arith.constant 0 : i32
      %dma_start3A_32 = tpu.memref_slice %arg5[%add3A, %dma_start3A_31] : memref<32x32768xi32, #tpu.memory_space<hbm>> -> memref<1x32768xi32, #tpu.memory_space<hbm>>
      %dma_start3A_33 = tpu.memref_squeeze %dma_start3A_32 : memref<1x32768xi32, #tpu.memory_space<hbm>> -> memref<32768xi32, #tpu.memory_space<hbm>>
      %dma_start3A_34 = arith.constant 0 : i32
      %dma_start3A_35 = tpu.memref_slice %arg5[%add3A, %dma_start3A_34] : memref<32x32768xi32, #tpu.memory_space<hbm>> -> memref<1x32768xi32, #tpu.memory_space<hbm>>
      %dma_start3A_36 = tpu.memref_squeeze %dma_start3A_35 : memref<1x32768xi32, #tpu.memory_space<hbm>> -> memref<32768xi32, #tpu.memory_space<hbm>>
      tpu.enqueue_dma source(%arg12 : memref<32768xi32, #tpu.memory_space<vmem>>) target(%dma_start3A_36 : memref<32768xi32, #tpu.memory_space<hbm>>) target_semaphore(%run_scoped3A : memref<!tpu.dma_semaphore, #tpu.memory_space<semaphore_mem>>)
      %dma_wait3A_37 = arith.constant 0 : i32
      %dma_wait3A_38 = tpu.memref_slice %arg5[%add3A, %dma_wait3A_37] : memref<32x32768xi32, #tpu.memory_space<hbm>> -> memref<1x32768xi32, #tpu.memory_space<hbm>>
      %dma_wait3A_39 = tpu.memref_squeeze %dma_wait3A_38 : memref<1x32768xi32, #tpu.memory_space<hbm>> -> memref<32768xi32, #tpu.memory_space<hbm>>
      %dma_wait3A_40 = arith.constant 0 : i32
      %dma_wait3A_41 = tpu.memref_slice %arg5[%add3A, %dma_wait3A_40] : memref<32x32768xi32, #tpu.memory_space<hbm>> -> memref<1x32768xi32, #tpu.memory_space<hbm>>
      %dma_wait3A_42 = tpu.memref_squeeze %dma_wait3A_41 : memref<1x32768xi32, #tpu.memory_space<hbm>> -> memref<32768xi32, #tpu.memory_space<hbm>>
      tpu.wait_dma2 semaphore(%run_scoped3A : memref<!tpu.dma_semaphore, #tpu.memory_space<semaphore_mem>>) src(%arg12 : memref<32768xi32, #tpu.memory_space<vmem>>) dst(%dma_wait3A_42 : memref<32768xi32, #tpu.memory_space<hbm>>)
      tpu.yield
    }) : () -> ()
    return
  }
}

#map = affine_map<(d0, d1) -> (0)>
#map1 = affine_map<(d0, d1) -> (0, 0)>
module attributes {stable_mosaic.version = 14 : i64} {
  func.func @_pass(%arg0: i32, %arg1: i32, %arg2: memref<16777216xf32, #tpu.memory_space<hbm>>, %arg3: memref<16xi32, #tpu.memory_space<hbm>>, %arg4: memref<32x16384xi32, #tpu.memory_space<hbm>>, %arg5: memref<32768xf32, #tpu.memory_space<vmem>>, %arg6: memref<32768xf32, #tpu.memory_space<vmem>>, %arg7: memref<16xi32, #tpu.memory_space<vmem>>, %arg8: memref<16384xi32, #tpu.memory_space<vmem>>, %arg9: memref<!tpu.dma_semaphore, #tpu.memory_space<semaphore_mem>>, %arg10: memref<!tpu.dma_semaphore, #tpu.memory_space<semaphore_mem>>) attributes {dimension_semantics = [#tpu.dimension_semantics<core_parallel>, #tpu.dimension_semantics<subcore_parallel>], iteration_bounds = array<i64: 2, 16>, scalar_prefetch = 0 : i64, scratch_operands = 6 : i64, tpu.core_type = #tpu.core_type<sc_vector_subcore>, window_params = [{transform_indices = #map}, {transform_indices = #map}, {transform_indices = #map1}]} {
    %mul3A = arith.constant 2 : i32
    %mul3A_0 = arith.muli %arg1, %mul3A : i32
    %add3A = arith.addi %mul3A_0, %arg0 : i32
    %mul3A_1 = arith.constant 524288 : i32
    %mul3A_2 = arith.muli %add3A, %mul3A_1 : i32
    %iota3A = tpu.iota {dimensions = array<i32: 0>} : vector<16xi32>
    %broadcast_in_dim3A = arith.constant 1 : i32
    %broadcast_in_dim3A_3 = vector.broadcast %broadcast_in_dim3A : i32 to vector<16xi32>
    %broadcast_in_dim3A_4 = arith.constant 0 : i32
    %broadcast_in_dim3A_5 = vector.broadcast %broadcast_in_dim3A_4 : i32 to vector<16xi32>
    %parallel_loop3A = arith.constant 0 : i32
    %parallel_loop3A_6 = arith.constant 1024 : i32
    %parallel_loop3A_7 = arith.constant 1 : i32
    scf.for %parallel_loop3A_21 = %parallel_loop3A to %parallel_loop3A_6 step %parallel_loop3A_7  : i32 {
      %parallel_loop3A_22 = arith.constant 16 : i32
      %parallel_loop3A_23 = arith.muli %parallel_loop3A_21, %parallel_loop3A_22 : i32
      %parallel_loop3A_24 = arith.index_cast %parallel_loop3A_23 : i32 to index
      %parallel_loop3A_25 = tpu.vector_load %arg8[%parallel_loop3A_24] {strides = array<i32>} : memref<16384xi32, #tpu.memory_space<vmem>>, vector<16xi32>,
      tpu.vector_store %arg8[%parallel_loop3A_24], %broadcast_in_dim3A_5 {strides = array<i32>} : memref<16384xi32, #tpu.memory_space<vmem>>, vector<16xi32>,
    } {sc.loop_unroll_factor = 8 : i64, sc.parallel_access}
    "tpu.region"() ({
      %run_scoped3A = tpu.sem_alloc : memref<!tpu.dma_semaphore, #tpu.memory_space<semaphore_mem>>
      tpu.enqueue_dma source(%arg3 : memref<16xi32, #tpu.memory_space<hbm>>) target(%arg7 : memref<16xi32, #tpu.memory_space<vmem>>) target_semaphore(%run_scoped3A : memref<!tpu.dma_semaphore, #tpu.memory_space<semaphore_mem>>)
      tpu.wait_dma2 semaphore(%run_scoped3A : memref<!tpu.dma_semaphore, #tpu.memory_space<semaphore_mem>>) src(%arg3 : memref<16xi32, #tpu.memory_space<hbm>>) dst(%arg7 : memref<16xi32, #tpu.memory_space<vmem>>)
      tpu.yield
    }) : () -> ()
    %get3A = arith.constant 0 : index
    %get3A_8 = tpu.vector_load %arg7[%get3A] {strides = array<i32>} : memref<16xi32, #tpu.memory_space<vmem>>, vector<16xi32>,
    %add3A_9 = arith.constant 0 : i32
    %add3A_10 = arith.addi %mul3A_2, %add3A_9 : i32
    %dma_start3A = tpu.memref_slice %arg2[%add3A_10] : memref<16777216xf32, #tpu.memory_space<hbm>> -> memref<32768xf32, #tpu.memory_space<hbm>>
    %dma_start3A_11 = tpu.memref_slice %arg2[%add3A_10] : memref<16777216xf32, #tpu.memory_space<hbm>> -> memref<32768xf32, #tpu.memory_space<hbm>>
    tpu.enqueue_dma source(%dma_start3A_11 : memref<32768xf32, #tpu.memory_space<hbm>>) target(%arg5 : memref<32768xf32, #tpu.memory_space<vmem>>) target_semaphore(%arg9 : memref<!tpu.dma_semaphore, #tpu.memory_space<semaphore_mem>>)
    %add3A_12 = arith.constant 32768 : i32
    %add3A_13 = arith.addi %mul3A_2, %add3A_12 : i32
    %dma_start3A_14 = tpu.memref_slice %arg2[%add3A_13] : memref<16777216xf32, #tpu.memory_space<hbm>> -> memref<32768xf32, #tpu.memory_space<hbm>>
    %dma_start3A_15 = tpu.memref_slice %arg2[%add3A_13] : memref<16777216xf32, #tpu.memory_space<hbm>> -> memref<32768xf32, #tpu.memory_space<hbm>>
    tpu.enqueue_dma source(%dma_start3A_15 : memref<32768xf32, #tpu.memory_space<hbm>>) target(%arg6 : memref<32768xf32, #tpu.memory_space<vmem>>) target_semaphore(%arg10 : memref<!tpu.dma_semaphore, #tpu.memory_space<semaphore_mem>>)
    %scan3A = arith.constant 0 : i32
    %scan3A_16 = arith.constant 0 : i32
    %scan3A_17 = arith.constant 8 : i32
    %scan3A_18 = arith.addi %scan3A_16, %scan3A_17 : i32
    %scan3A_19 = arith.constant 1 : i32
    scf.for %scan3A_21 = %scan3A_16 to %scan3A_18 step %scan3A_19  : i32 {
      %mul3A_22 = arith.constant 2 : i32
      %mul3A_23 = arith.muli %scan3A_21, %mul3A_22 : i32
      %add3A_24 = arith.constant 0 : i32
      %add3A_25 = arith.addi %mul3A_23, %add3A_24 : i32
      %dma_wait3A = arith.constant 0 : i32
      %dma_wait3A_26 = tpu.memref_slice %arg2[%dma_wait3A] : memref<16777216xf32, #tpu.memory_space<hbm>> -> memref<32768xf32, #tpu.memory_space<hbm>>
      %dma_wait3A_27 = arith.constant 0 : i32
      %dma_wait3A_28 = tpu.memref_slice %arg2[%dma_wait3A_27] : memref<16777216xf32, #tpu.memory_space<hbm>> -> memref<32768xf32, #tpu.memory_space<hbm>>
      tpu.wait_dma2 semaphore(%arg9 : memref<!tpu.dma_semaphore, #tpu.memory_space<semaphore_mem>>) src(%dma_wait3A_28 : memref<32768xf32, #tpu.memory_space<hbm>>) dst(%arg5 : memref<32768xf32, #tpu.memory_space<vmem>>)
      %gt3A = arith.constant 0 : i32
      %gt3A_29 = arith.cmpi sgt, %scan3A_21, %gt3A : i32
      %convert_element_type3A = arith.extui %gt3A_29 : i1 to i32
      %cond3A = arith.constant 0 : i32
      %cond3A_30 = arith.cmpi ne, %convert_element_type3A, %cond3A : i32
      scf.if %cond3A_30 {
      } else {
      }
      %parallel_loop3A_31 = arith.constant 0 : i32
      %parallel_loop3A_32 = arith.constant 2048 : i32
      %parallel_loop3A_33 = arith.constant 1 : i32
      scf.for %parallel_loop3A_69 = %parallel_loop3A_31 to %parallel_loop3A_32 step %parallel_loop3A_33  : i32 {
        %parallel_loop3A_70 = arith.constant 16 : i32
        %parallel_loop3A_71 = arith.muli %parallel_loop3A_69, %parallel_loop3A_70 : i32
        %parallel_loop3A_72 = arith.index_cast %parallel_loop3A_71 : i32 to index
        %parallel_loop3A_73 = tpu.vector_load %arg5[%parallel_loop3A_72] {strides = array<i32>} : memref<32768xf32, #tpu.memory_space<vmem>>, vector<16xf32>,
        %parallel_loop3A_74 = vector.bitcast %parallel_loop3A_73 : vector<16xf32> to vector<16xi32>
        %parallel_loop3A_75 = arith.constant 2147483647 : i32
        %parallel_loop3A_76 = vector.broadcast %parallel_loop3A_75 : i32 to vector<16xi32>
        %parallel_loop3A_77 = arith.andi %parallel_loop3A_74, %parallel_loop3A_76 : vector<16xi32>
        %parallel_loop3A_78 = arith.constant 20 : i32
        %parallel_loop3A_79 = vector.broadcast %parallel_loop3A_78 : i32 to vector<16xi32>
        %parallel_loop3A_80 = arith.shrsi %parallel_loop3A_77, %parallel_loop3A_79 : vector<16xi32>
        %parallel_loop3A_81 = arith.cmpi eq, %parallel_loop3A_80, %get3A_8 : vector<16xi32>
        %parallel_loop3A_82 = arith.constant 10 : i32
        %parallel_loop3A_83 = vector.broadcast %parallel_loop3A_82 : i32 to vector<16xi32>
        %parallel_loop3A_84 = arith.shrsi %parallel_loop3A_77, %parallel_loop3A_83 : vector<16xi32>
        %parallel_loop3A_85 = arith.constant 1023 : i32
        %parallel_loop3A_86 = vector.broadcast %parallel_loop3A_85 : i32 to vector<16xi32>
        %parallel_loop3A_87 = arith.andi %parallel_loop3A_84, %parallel_loop3A_86 : vector<16xi32>
        %parallel_loop3A_88 = arith.constant 4 : i32
        %parallel_loop3A_89 = vector.broadcast %parallel_loop3A_88 : i32 to vector<16xi32>
        %parallel_loop3A_90 = arith.shli %parallel_loop3A_87, %parallel_loop3A_89 : vector<16xi32>
        %parallel_loop3A_91 = arith.addi %parallel_loop3A_90, %iota3A : vector<16xi32>
        tpu.vector_store_idx %arg8[%parallel_loop3A_91], %broadcast_in_dim3A_3 masked %parallel_loop3A_81 {add = true} : memref<16384xi32, #tpu.memory_space<vmem>>[vector<16xi32>], vector<16xi32>, vector<16xi1>
      } {sc.loop_unroll_factor = 8 : i64, sc.parallel_access}
      %mul3A_34 = arith.constant 32768 : i32
      %mul3A_35 = arith.muli %add3A_25, %mul3A_34 : i32
      %add3A_36 = arith.addi %mul3A_2, %mul3A_35 : i32
      %add3A_37 = arith.constant 2 : i32
      %add3A_38 = arith.addi %add3A_25, %add3A_37 : i32
      %lt3A = arith.constant 16 : i32
      %lt3A_39 = arith.cmpi slt, %add3A_38, %lt3A : i32
      %convert_element_type3A_40 = arith.extui %lt3A_39 : i1 to i32
      %cond3A_41 = arith.constant 0 : i32
      %cond3A_42 = arith.cmpi ne, %convert_element_type3A_40, %cond3A_41 : i32
      scf.if %cond3A_42 {
        %add3A_69 = arith.constant 2 : i32
        %add3A_70 = arith.addi %add3A_25, %add3A_69 : i32
        %mul3A_71 = arith.constant 32768 : i32
        %mul3A_72 = arith.muli %add3A_70, %mul3A_71 : i32
        %add3A_73 = arith.addi %mul3A_2, %mul3A_72 : i32
        %dma_start3A_74 = tpu.memref_slice %arg2[%add3A_73] : memref<16777216xf32, #tpu.memory_space<hbm>> -> memref<32768xf32, #tpu.memory_space<hbm>>
        %dma_start3A_75 = tpu.memref_slice %arg2[%add3A_73] : memref<16777216xf32, #tpu.memory_space<hbm>> -> memref<32768xf32, #tpu.memory_space<hbm>>
        tpu.enqueue_dma source(%dma_start3A_75 : memref<32768xf32, #tpu.memory_space<hbm>>) target(%arg5 : memref<32768xf32, #tpu.memory_space<vmem>>) target_semaphore(%arg9 : memref<!tpu.dma_semaphore, #tpu.memory_space<semaphore_mem>>)
      } else {
      }
      %mul3A_43 = arith.constant 2 : i32
      %mul3A_44 = arith.muli %scan3A_21, %mul3A_43 : i32
      %add3A_45 = arith.constant 1 : i32
      %add3A_46 = arith.addi %mul3A_44, %add3A_45 : i32
      %dma_wait3A_47 = arith.constant 0 : i32
      %dma_wait3A_48 = tpu.memref_slice %arg2[%dma_wait3A_47] : memref<16777216xf32, #tpu.memory_space<hbm>> -> memref<32768xf32, #tpu.memory_space<hbm>>
      %dma_wait3A_49 = arith.constant 0 : i32
      %dma_wait3A_50 = tpu.memref_slice %arg2[%dma_wait3A_49] : memref<16777216xf32, #tpu.memory_space<hbm>> -> memref<32768xf32, #tpu.memory_space<hbm>>
      tpu.wait_dma2 semaphore(%arg10 : memref<!tpu.dma_semaphore, #tpu.memory_space<semaphore_mem>>) src(%dma_wait3A_50 : memref<32768xf32, #tpu.memory_space<hbm>>) dst(%arg6 : memref<32768xf32, #tpu.memory_space<vmem>>)
      %gt3A_51 = arith.constant 0 : i32
      %gt3A_52 = arith.cmpi sgt, %scan3A_21, %gt3A_51 : i32
      %convert_element_type3A_53 = arith.extui %gt3A_52 : i1 to i32
      %cond3A_54 = arith.constant 0 : i32
      %cond3A_55 = arith.cmpi ne, %convert_element_type3A_53, %cond3A_54 : i32
      scf.if %cond3A_55 {
      } else {
      }
      %parallel_loop3A_56 = arith.constant 0 : i32
      %parallel_loop3A_57 = arith.constant 2048 : i32
      %parallel_loop3A_58 = arith.constant 1 : i32
      scf.for %parallel_loop3A_69 = %parallel_loop3A_56 to %parallel_loop3A_57 step %parallel_loop3A_58  : i32 {
        %parallel_loop3A_70 = arith.constant 16 : i32
        %parallel_loop3A_71 = arith.muli %parallel_loop3A_69, %parallel_loop3A_70 : i32
        %parallel_loop3A_72 = arith.index_cast %parallel_loop3A_71 : i32 to index
        %parallel_loop3A_73 = tpu.vector_load %arg6[%parallel_loop3A_72] {strides = array<i32>} : memref<32768xf32, #tpu.memory_space<vmem>>, vector<16xf32>,
        %parallel_loop3A_74 = vector.bitcast %parallel_loop3A_73 : vector<16xf32> to vector<16xi32>
        %parallel_loop3A_75 = arith.constant 2147483647 : i32
        %parallel_loop3A_76 = vector.broadcast %parallel_loop3A_75 : i32 to vector<16xi32>
        %parallel_loop3A_77 = arith.andi %parallel_loop3A_74, %parallel_loop3A_76 : vector<16xi32>
        %parallel_loop3A_78 = arith.constant 20 : i32
        %parallel_loop3A_79 = vector.broadcast %parallel_loop3A_78 : i32 to vector<16xi32>
        %parallel_loop3A_80 = arith.shrsi %parallel_loop3A_77, %parallel_loop3A_79 : vector<16xi32>
        %parallel_loop3A_81 = arith.cmpi eq, %parallel_loop3A_80, %get3A_8 : vector<16xi32>
        %parallel_loop3A_82 = arith.constant 10 : i32
        %parallel_loop3A_83 = vector.broadcast %parallel_loop3A_82 : i32 to vector<16xi32>
        %parallel_loop3A_84 = arith.shrsi %parallel_loop3A_77, %parallel_loop3A_83 : vector<16xi32>
        %parallel_loop3A_85 = arith.constant 1023 : i32
        %parallel_loop3A_86 = vector.broadcast %parallel_loop3A_85 : i32 to vector<16xi32>
        %parallel_loop3A_87 = arith.andi %parallel_loop3A_84, %parallel_loop3A_86 : vector<16xi32>
        %parallel_loop3A_88 = arith.constant 4 : i32
        %parallel_loop3A_89 = vector.broadcast %parallel_loop3A_88 : i32 to vector<16xi32>
        %parallel_loop3A_90 = arith.shli %parallel_loop3A_87, %parallel_loop3A_89 : vector<16xi32>
        %parallel_loop3A_91 = arith.addi %parallel_loop3A_90, %iota3A : vector<16xi32>
        tpu.vector_store_idx %arg8[%parallel_loop3A_91], %broadcast_in_dim3A_3 masked %parallel_loop3A_81 {add = true} : memref<16384xi32, #tpu.memory_space<vmem>>[vector<16xi32>], vector<16xi32>, vector<16xi1>
      } {sc.loop_unroll_factor = 8 : i64, sc.parallel_access}
      %mul3A_59 = arith.constant 32768 : i32
      %mul3A_60 = arith.muli %add3A_46, %mul3A_59 : i32
      %add3A_61 = arith.addi %mul3A_2, %mul3A_60 : i32
      %add3A_62 = arith.constant 2 : i32
      %add3A_63 = arith.addi %add3A_46, %add3A_62 : i32
      %lt3A_64 = arith.constant 16 : i32
      %lt3A_65 = arith.cmpi slt, %add3A_63, %lt3A_64 : i32
      %convert_element_type3A_66 = arith.extui %lt3A_65 : i1 to i32
      %cond3A_67 = arith.constant 0 : i32
      %cond3A_68 = arith.cmpi ne, %convert_element_type3A_66, %cond3A_67 : i32
      scf.if %cond3A_68 {
        %add3A_69 = arith.constant 2 : i32
        %add3A_70 = arith.addi %add3A_46, %add3A_69 : i32
        %mul3A_71 = arith.constant 32768 : i32
        %mul3A_72 = arith.muli %add3A_70, %mul3A_71 : i32
        %add3A_73 = arith.addi %mul3A_2, %mul3A_72 : i32
        %dma_start3A_74 = tpu.memref_slice %arg2[%add3A_73] : memref<16777216xf32, #tpu.memory_space<hbm>> -> memref<32768xf32, #tpu.memory_space<hbm>>
        %dma_start3A_75 = tpu.memref_slice %arg2[%add3A_73] : memref<16777216xf32, #tpu.memory_space<hbm>> -> memref<32768xf32, #tpu.memory_space<hbm>>
        tpu.enqueue_dma source(%dma_start3A_75 : memref<32768xf32, #tpu.memory_space<hbm>>) target(%arg6 : memref<32768xf32, #tpu.memory_space<vmem>>) target_semaphore(%arg10 : memref<!tpu.dma_semaphore, #tpu.memory_space<semaphore_mem>>)
      } else {
      }
    }
    %scan3A_20 = arith.constant 8 : i32
    "tpu.region"() ({
      %run_scoped3A = tpu.sem_alloc : memref<!tpu.dma_semaphore, #tpu.memory_space<semaphore_mem>>
      %dma_start3A_21 = arith.constant 0 : i32
      %dma_start3A_22 = tpu.memref_slice %arg4[%add3A, %dma_start3A_21] : memref<32x16384xi32, #tpu.memory_space<hbm>> -> memref<1x16384xi32, #tpu.memory_space<hbm>>
      %dma_start3A_23 = tpu.memref_squeeze %dma_start3A_22 : memref<1x16384xi32, #tpu.memory_space<hbm>> -> memref<16384xi32, #tpu.memory_space<hbm>>
      %dma_start3A_24 = arith.constant 0 : i32
      %dma_start3A_25 = tpu.memref_slice %arg4[%add3A, %dma_start3A_24] : memref<32x16384xi32, #tpu.memory_space<hbm>> -> memref<1x16384xi32, #tpu.memory_space<hbm>>
      %dma_start3A_26 = tpu.memref_squeeze %dma_start3A_25 : memref<1x16384xi32, #tpu.memory_space<hbm>> -> memref<16384xi32, #tpu.memory_space<hbm>>
      tpu.enqueue_dma source(%arg8 : memref<16384xi32, #tpu.memory_space<vmem>>) target(%dma_start3A_26 : memref<16384xi32, #tpu.memory_space<hbm>>) target_semaphore(%run_scoped3A : memref<!tpu.dma_semaphore, #tpu.memory_space<semaphore_mem>>)
      %dma_wait3A = arith.constant 0 : i32
      %dma_wait3A_27 = tpu.memref_slice %arg4[%add3A, %dma_wait3A] : memref<32x16384xi32, #tpu.memory_space<hbm>> -> memref<1x16384xi32, #tpu.memory_space<hbm>>
      %dma_wait3A_28 = tpu.memref_squeeze %dma_wait3A_27 : memref<1x16384xi32, #tpu.memory_space<hbm>> -> memref<16384xi32, #tpu.memory_space<hbm>>
      %dma_wait3A_29 = arith.constant 0 : i32
      %dma_wait3A_30 = tpu.memref_slice %arg4[%add3A, %dma_wait3A_29] : memref<32x16384xi32, #tpu.memory_space<hbm>> -> memref<1x16384xi32, #tpu.memory_space<hbm>>
      %dma_wait3A_31 = tpu.memref_squeeze %dma_wait3A_30 : memref<1x16384xi32, #tpu.memory_space<hbm>> -> memref<16384xi32, #tpu.memory_space<hbm>>
      tpu.wait_dma2 semaphore(%run_scoped3A : memref<!tpu.dma_semaphore, #tpu.memory_space<semaphore_mem>>) src(%arg8 : memref<16384xi32, #tpu.memory_space<vmem>>) dst(%dma_wait3A_31 : memref<16384xi32, #tpu.memory_space<hbm>>)
      tpu.yield
    }) : () -> ()
    return
  }
}

#map = affine_map<(d0, d1) -> (0)>
#map1 = affine_map<(d0, d1) -> (0, 0)>
module attributes {stable_mosaic.version = 14 : i64} {
  func.func @_pass(%arg0: i32, %arg1: i32, %arg2: memref<16777216xf32, #tpu.memory_space<hbm>>, %arg3: memref<16xi32, #tpu.memory_space<hbm>>, %arg4: memref<32x16384xi32, #tpu.memory_space<hbm>>, %arg5: memref<32768xf32, #tpu.memory_space<vmem>>, %arg6: memref<32768xf32, #tpu.memory_space<vmem>>, %arg7: memref<16xi32, #tpu.memory_space<vmem>>, %arg8: memref<16384xi32, #tpu.memory_space<vmem>>, %arg9: memref<!tpu.dma_semaphore, #tpu.memory_space<semaphore_mem>>, %arg10: memref<!tpu.dma_semaphore, #tpu.memory_space<semaphore_mem>>) attributes {dimension_semantics = [#tpu.dimension_semantics<core_parallel>, #tpu.dimension_semantics<subcore_parallel>], iteration_bounds = array<i64: 2, 16>, scalar_prefetch = 0 : i64, scratch_operands = 6 : i64, tpu.core_type = #tpu.core_type<sc_vector_subcore>, window_params = [{transform_indices = #map}, {transform_indices = #map}, {transform_indices = #map1}]} {
    %mul3A = arith.constant 2 : i32
    %mul3A_0 = arith.muli %arg1, %mul3A : i32
    %add3A = arith.addi %mul3A_0, %arg0 : i32
    %mul3A_1 = arith.constant 524288 : i32
    %mul3A_2 = arith.muli %add3A, %mul3A_1 : i32
    %iota3A = tpu.iota {dimensions = array<i32: 0>} : vector<16xi32>
    %broadcast_in_dim3A = arith.constant 1 : i32
    %broadcast_in_dim3A_3 = vector.broadcast %broadcast_in_dim3A : i32 to vector<16xi32>
    %broadcast_in_dim3A_4 = arith.constant 0 : i32
    %broadcast_in_dim3A_5 = vector.broadcast %broadcast_in_dim3A_4 : i32 to vector<16xi32>
    %parallel_loop3A = arith.constant 0 : i32
    %parallel_loop3A_6 = arith.constant 1024 : i32
    %parallel_loop3A_7 = arith.constant 1 : i32
    scf.for %parallel_loop3A_21 = %parallel_loop3A to %parallel_loop3A_6 step %parallel_loop3A_7  : i32 {
      %parallel_loop3A_22 = arith.constant 16 : i32
      %parallel_loop3A_23 = arith.muli %parallel_loop3A_21, %parallel_loop3A_22 : i32
      %parallel_loop3A_24 = arith.index_cast %parallel_loop3A_23 : i32 to index
      %parallel_loop3A_25 = tpu.vector_load %arg8[%parallel_loop3A_24] {strides = array<i32>} : memref<16384xi32, #tpu.memory_space<vmem>>, vector<16xi32>,
      tpu.vector_store %arg8[%parallel_loop3A_24], %broadcast_in_dim3A_5 {strides = array<i32>} : memref<16384xi32, #tpu.memory_space<vmem>>, vector<16xi32>,
    } {sc.loop_unroll_factor = 8 : i64, sc.parallel_access}
    "tpu.region"() ({
      %run_scoped3A = tpu.sem_alloc : memref<!tpu.dma_semaphore, #tpu.memory_space<semaphore_mem>>
      tpu.enqueue_dma source(%arg3 : memref<16xi32, #tpu.memory_space<hbm>>) target(%arg7 : memref<16xi32, #tpu.memory_space<vmem>>) target_semaphore(%run_scoped3A : memref<!tpu.dma_semaphore, #tpu.memory_space<semaphore_mem>>)
      tpu.wait_dma2 semaphore(%run_scoped3A : memref<!tpu.dma_semaphore, #tpu.memory_space<semaphore_mem>>) src(%arg3 : memref<16xi32, #tpu.memory_space<hbm>>) dst(%arg7 : memref<16xi32, #tpu.memory_space<vmem>>)
      tpu.yield
    }) : () -> ()
    %get3A = arith.constant 0 : index
    %get3A_8 = tpu.vector_load %arg7[%get3A] {strides = array<i32>} : memref<16xi32, #tpu.memory_space<vmem>>, vector<16xi32>,
    %add3A_9 = arith.constant 0 : i32
    %add3A_10 = arith.addi %mul3A_2, %add3A_9 : i32
    %dma_start3A = tpu.memref_slice %arg2[%add3A_10] : memref<16777216xf32, #tpu.memory_space<hbm>> -> memref<32768xf32, #tpu.memory_space<hbm>>
    %dma_start3A_11 = tpu.memref_slice %arg2[%add3A_10] : memref<16777216xf32, #tpu.memory_space<hbm>> -> memref<32768xf32, #tpu.memory_space<hbm>>
    tpu.enqueue_dma source(%dma_start3A_11 : memref<32768xf32, #tpu.memory_space<hbm>>) target(%arg5 : memref<32768xf32, #tpu.memory_space<vmem>>) target_semaphore(%arg9 : memref<!tpu.dma_semaphore, #tpu.memory_space<semaphore_mem>>)
    %add3A_12 = arith.constant 32768 : i32
    %add3A_13 = arith.addi %mul3A_2, %add3A_12 : i32
    %dma_start3A_14 = tpu.memref_slice %arg2[%add3A_13] : memref<16777216xf32, #tpu.memory_space<hbm>> -> memref<32768xf32, #tpu.memory_space<hbm>>
    %dma_start3A_15 = tpu.memref_slice %arg2[%add3A_13] : memref<16777216xf32, #tpu.memory_space<hbm>> -> memref<32768xf32, #tpu.memory_space<hbm>>
    tpu.enqueue_dma source(%dma_start3A_15 : memref<32768xf32, #tpu.memory_space<hbm>>) target(%arg6 : memref<32768xf32, #tpu.memory_space<vmem>>) target_semaphore(%arg10 : memref<!tpu.dma_semaphore, #tpu.memory_space<semaphore_mem>>)
    %scan3A = arith.constant 0 : i32
    %scan3A_16 = arith.constant 0 : i32
    %scan3A_17 = arith.constant 8 : i32
    %scan3A_18 = arith.addi %scan3A_16, %scan3A_17 : i32
    %scan3A_19 = arith.constant 1 : i32
    scf.for %scan3A_21 = %scan3A_16 to %scan3A_18 step %scan3A_19  : i32 {
      %mul3A_22 = arith.constant 2 : i32
      %mul3A_23 = arith.muli %scan3A_21, %mul3A_22 : i32
      %add3A_24 = arith.constant 0 : i32
      %add3A_25 = arith.addi %mul3A_23, %add3A_24 : i32
      %dma_wait3A = arith.constant 0 : i32
      %dma_wait3A_26 = tpu.memref_slice %arg2[%dma_wait3A] : memref<16777216xf32, #tpu.memory_space<hbm>> -> memref<32768xf32, #tpu.memory_space<hbm>>
      %dma_wait3A_27 = arith.constant 0 : i32
      %dma_wait3A_28 = tpu.memref_slice %arg2[%dma_wait3A_27] : memref<16777216xf32, #tpu.memory_space<hbm>> -> memref<32768xf32, #tpu.memory_space<hbm>>
      tpu.wait_dma2 semaphore(%arg9 : memref<!tpu.dma_semaphore, #tpu.memory_space<semaphore_mem>>) src(%dma_wait3A_28 : memref<32768xf32, #tpu.memory_space<hbm>>) dst(%arg5 : memref<32768xf32, #tpu.memory_space<vmem>>)
      %gt3A = arith.constant 0 : i32
      %gt3A_29 = arith.cmpi sgt, %scan3A_21, %gt3A : i32
      %convert_element_type3A = arith.extui %gt3A_29 : i1 to i32
      %cond3A = arith.constant 0 : i32
      %cond3A_30 = arith.cmpi ne, %convert_element_type3A, %cond3A : i32
      scf.if %cond3A_30 {
      } else {
      }
      %parallel_loop3A_31 = arith.constant 0 : i32
      %parallel_loop3A_32 = arith.constant 2048 : i32
      %parallel_loop3A_33 = arith.constant 1 : i32
      scf.for %parallel_loop3A_69 = %parallel_loop3A_31 to %parallel_loop3A_32 step %parallel_loop3A_33  : i32 {
        %parallel_loop3A_70 = arith.constant 16 : i32
        %parallel_loop3A_71 = arith.muli %parallel_loop3A_69, %parallel_loop3A_70 : i32
        %parallel_loop3A_72 = arith.index_cast %parallel_loop3A_71 : i32 to index
        %parallel_loop3A_73 = tpu.vector_load %arg5[%parallel_loop3A_72] {strides = array<i32>} : memref<32768xf32, #tpu.memory_space<vmem>>, vector<16xf32>,
        %parallel_loop3A_74 = vector.bitcast %parallel_loop3A_73 : vector<16xf32> to vector<16xi32>
        %parallel_loop3A_75 = arith.constant 2147483647 : i32
        %parallel_loop3A_76 = vector.broadcast %parallel_loop3A_75 : i32 to vector<16xi32>
        %parallel_loop3A_77 = arith.andi %parallel_loop3A_74, %parallel_loop3A_76 : vector<16xi32>
        %parallel_loop3A_78 = arith.constant 10 : i32
        %parallel_loop3A_79 = vector.broadcast %parallel_loop3A_78 : i32 to vector<16xi32>
        %parallel_loop3A_80 = arith.shrsi %parallel_loop3A_77, %parallel_loop3A_79 : vector<16xi32>
        %parallel_loop3A_81 = arith.cmpi eq, %parallel_loop3A_80, %get3A_8 : vector<16xi32>
        %parallel_loop3A_82 = arith.constant 0 : i32
        %parallel_loop3A_83 = vector.broadcast %parallel_loop3A_82 : i32 to vector<16xi32>
        %parallel_loop3A_84 = arith.shrsi %parallel_loop3A_77, %parallel_loop3A_83 : vector<16xi32>
        %parallel_loop3A_85 = arith.constant 1023 : i32
        %parallel_loop3A_86 = vector.broadcast %parallel_loop3A_85 : i32 to vector<16xi32>
        %parallel_loop3A_87 = arith.andi %parallel_loop3A_84, %parallel_loop3A_86 : vector<16xi32>
        %parallel_loop3A_88 = arith.constant 4 : i32
        %parallel_loop3A_89 = vector.broadcast %parallel_loop3A_88 : i32 to vector<16xi32>
        %parallel_loop3A_90 = arith.shli %parallel_loop3A_87, %parallel_loop3A_89 : vector<16xi32>
        %parallel_loop3A_91 = arith.addi %parallel_loop3A_90, %iota3A : vector<16xi32>
        tpu.vector_store_idx %arg8[%parallel_loop3A_91], %broadcast_in_dim3A_3 masked %parallel_loop3A_81 {add = true} : memref<16384xi32, #tpu.memory_space<vmem>>[vector<16xi32>], vector<16xi32>, vector<16xi1>
      } {sc.loop_unroll_factor = 8 : i64, sc.parallel_access}
      %mul3A_34 = arith.constant 32768 : i32
      %mul3A_35 = arith.muli %add3A_25, %mul3A_34 : i32
      %add3A_36 = arith.addi %mul3A_2, %mul3A_35 : i32
      %add3A_37 = arith.constant 2 : i32
      %add3A_38 = arith.addi %add3A_25, %add3A_37 : i32
      %lt3A = arith.constant 16 : i32
      %lt3A_39 = arith.cmpi slt, %add3A_38, %lt3A : i32
      %convert_element_type3A_40 = arith.extui %lt3A_39 : i1 to i32
      %cond3A_41 = arith.constant 0 : i32
      %cond3A_42 = arith.cmpi ne, %convert_element_type3A_40, %cond3A_41 : i32
      scf.if %cond3A_42 {
        %add3A_69 = arith.constant 2 : i32
        %add3A_70 = arith.addi %add3A_25, %add3A_69 : i32
        %mul3A_71 = arith.constant 32768 : i32
        %mul3A_72 = arith.muli %add3A_70, %mul3A_71 : i32
        %add3A_73 = arith.addi %mul3A_2, %mul3A_72 : i32
        %dma_start3A_74 = tpu.memref_slice %arg2[%add3A_73] : memref<16777216xf32, #tpu.memory_space<hbm>> -> memref<32768xf32, #tpu.memory_space<hbm>>
        %dma_start3A_75 = tpu.memref_slice %arg2[%add3A_73] : memref<16777216xf32, #tpu.memory_space<hbm>> -> memref<32768xf32, #tpu.memory_space<hbm>>
        tpu.enqueue_dma source(%dma_start3A_75 : memref<32768xf32, #tpu.memory_space<hbm>>) target(%arg5 : memref<32768xf32, #tpu.memory_space<vmem>>) target_semaphore(%arg9 : memref<!tpu.dma_semaphore, #tpu.memory_space<semaphore_mem>>)
      } else {
      }
      %mul3A_43 = arith.constant 2 : i32
      %mul3A_44 = arith.muli %scan3A_21, %mul3A_43 : i32
      %add3A_45 = arith.constant 1 : i32
      %add3A_46 = arith.addi %mul3A_44, %add3A_45 : i32
      %dma_wait3A_47 = arith.constant 0 : i32
      %dma_wait3A_48 = tpu.memref_slice %arg2[%dma_wait3A_47] : memref<16777216xf32, #tpu.memory_space<hbm>> -> memref<32768xf32, #tpu.memory_space<hbm>>
      %dma_wait3A_49 = arith.constant 0 : i32
      %dma_wait3A_50 = tpu.memref_slice %arg2[%dma_wait3A_49] : memref<16777216xf32, #tpu.memory_space<hbm>> -> memref<32768xf32, #tpu.memory_space<hbm>>
      tpu.wait_dma2 semaphore(%arg10 : memref<!tpu.dma_semaphore, #tpu.memory_space<semaphore_mem>>) src(%dma_wait3A_50 : memref<32768xf32, #tpu.memory_space<hbm>>) dst(%arg6 : memref<32768xf32, #tpu.memory_space<vmem>>)
      %gt3A_51 = arith.constant 0 : i32
      %gt3A_52 = arith.cmpi sgt, %scan3A_21, %gt3A_51 : i32
      %convert_element_type3A_53 = arith.extui %gt3A_52 : i1 to i32
      %cond3A_54 = arith.constant 0 : i32
      %cond3A_55 = arith.cmpi ne, %convert_element_type3A_53, %cond3A_54 : i32
      scf.if %cond3A_55 {
      } else {
      }
      %parallel_loop3A_56 = arith.constant 0 : i32
      %parallel_loop3A_57 = arith.constant 2048 : i32
      %parallel_loop3A_58 = arith.constant 1 : i32
      scf.for %parallel_loop3A_69 = %parallel_loop3A_56 to %parallel_loop3A_57 step %parallel_loop3A_58  : i32 {
        %parallel_loop3A_70 = arith.constant 16 : i32
        %parallel_loop3A_71 = arith.muli %parallel_loop3A_69, %parallel_loop3A_70 : i32
        %parallel_loop3A_72 = arith.index_cast %parallel_loop3A_71 : i32 to index
        %parallel_loop3A_73 = tpu.vector_load %arg6[%parallel_loop3A_72] {strides = array<i32>} : memref<32768xf32, #tpu.memory_space<vmem>>, vector<16xf32>,
        %parallel_loop3A_74 = vector.bitcast %parallel_loop3A_73 : vector<16xf32> to vector<16xi32>
        %parallel_loop3A_75 = arith.constant 2147483647 : i32
        %parallel_loop3A_76 = vector.broadcast %parallel_loop3A_75 : i32 to vector<16xi32>
        %parallel_loop3A_77 = arith.andi %parallel_loop3A_74, %parallel_loop3A_76 : vector<16xi32>
        %parallel_loop3A_78 = arith.constant 10 : i32
        %parallel_loop3A_79 = vector.broadcast %parallel_loop3A_78 : i32 to vector<16xi32>
        %parallel_loop3A_80 = arith.shrsi %parallel_loop3A_77, %parallel_loop3A_79 : vector<16xi32>
        %parallel_loop3A_81 = arith.cmpi eq, %parallel_loop3A_80, %get3A_8 : vector<16xi32>
        %parallel_loop3A_82 = arith.constant 0 : i32
        %parallel_loop3A_83 = vector.broadcast %parallel_loop3A_82 : i32 to vector<16xi32>
        %parallel_loop3A_84 = arith.shrsi %parallel_loop3A_77, %parallel_loop3A_83 : vector<16xi32>
        %parallel_loop3A_85 = arith.constant 1023 : i32
        %parallel_loop3A_86 = vector.broadcast %parallel_loop3A_85 : i32 to vector<16xi32>
        %parallel_loop3A_87 = arith.andi %parallel_loop3A_84, %parallel_loop3A_86 : vector<16xi32>
        %parallel_loop3A_88 = arith.constant 4 : i32
        %parallel_loop3A_89 = vector.broadcast %parallel_loop3A_88 : i32 to vector<16xi32>
        %parallel_loop3A_90 = arith.shli %parallel_loop3A_87, %parallel_loop3A_89 : vector<16xi32>
        %parallel_loop3A_91 = arith.addi %parallel_loop3A_90, %iota3A : vector<16xi32>
        tpu.vector_store_idx %arg8[%parallel_loop3A_91], %broadcast_in_dim3A_3 masked %parallel_loop3A_81 {add = true} : memref<16384xi32, #tpu.memory_space<vmem>>[vector<16xi32>], vector<16xi32>, vector<16xi1>
      } {sc.loop_unroll_factor = 8 : i64, sc.parallel_access}
      %mul3A_59 = arith.constant 32768 : i32
      %mul3A_60 = arith.muli %add3A_46, %mul3A_59 : i32
      %add3A_61 = arith.addi %mul3A_2, %mul3A_60 : i32
      %add3A_62 = arith.constant 2 : i32
      %add3A_63 = arith.addi %add3A_46, %add3A_62 : i32
      %lt3A_64 = arith.constant 16 : i32
      %lt3A_65 = arith.cmpi slt, %add3A_63, %lt3A_64 : i32
      %convert_element_type3A_66 = arith.extui %lt3A_65 : i1 to i32
      %cond3A_67 = arith.constant 0 : i32
      %cond3A_68 = arith.cmpi ne, %convert_element_type3A_66, %cond3A_67 : i32
      scf.if %cond3A_68 {
        %add3A_69 = arith.constant 2 : i32
        %add3A_70 = arith.addi %add3A_46, %add3A_69 : i32
        %mul3A_71 = arith.constant 32768 : i32
        %mul3A_72 = arith.muli %add3A_70, %mul3A_71 : i32
        %add3A_73 = arith.addi %mul3A_2, %mul3A_72 : i32
        %dma_start3A_74 = tpu.memref_slice %arg2[%add3A_73] : memref<16777216xf32, #tpu.memory_space<hbm>> -> memref<32768xf32, #tpu.memory_space<hbm>>
        %dma_start3A_75 = tpu.memref_slice %arg2[%add3A_73] : memref<16777216xf32, #tpu.memory_space<hbm>> -> memref<32768xf32, #tpu.memory_space<hbm>>
        tpu.enqueue_dma source(%dma_start3A_75 : memref<32768xf32, #tpu.memory_space<hbm>>) target(%arg6 : memref<32768xf32, #tpu.memory_space<vmem>>) target_semaphore(%arg10 : memref<!tpu.dma_semaphore, #tpu.memory_space<semaphore_mem>>)
      } else {
      }
    }
    %scan3A_20 = arith.constant 8 : i32
    "tpu.region"() ({
      %run_scoped3A = tpu.sem_alloc : memref<!tpu.dma_semaphore, #tpu.memory_space<semaphore_mem>>
      %dma_start3A_21 = arith.constant 0 : i32
      %dma_start3A_22 = tpu.memref_slice %arg4[%add3A, %dma_start3A_21] : memref<32x16384xi32, #tpu.memory_space<hbm>> -> memref<1x16384xi32, #tpu.memory_space<hbm>>
      %dma_start3A_23 = tpu.memref_squeeze %dma_start3A_22 : memref<1x16384xi32, #tpu.memory_space<hbm>> -> memref<16384xi32, #tpu.memory_space<hbm>>
      %dma_start3A_24 = arith.constant 0 : i32
      %dma_start3A_25 = tpu.memref_slice %arg4[%add3A, %dma_start3A_24] : memref<32x16384xi32, #tpu.memory_space<hbm>> -> memref<1x16384xi32, #tpu.memory_space<hbm>>
      %dma_start3A_26 = tpu.memref_squeeze %dma_start3A_25 : memref<1x16384xi32, #tpu.memory_space<hbm>> -> memref<16384xi32, #tpu.memory_space<hbm>>
      tpu.enqueue_dma source(%arg8 : memref<16384xi32, #tpu.memory_space<vmem>>) target(%dma_start3A_26 : memref<16384xi32, #tpu.memory_space<hbm>>) target_semaphore(%run_scoped3A : memref<!tpu.dma_semaphore, #tpu.memory_space<semaphore_mem>>)
      %dma_wait3A = arith.constant 0 : i32
      %dma_wait3A_27 = tpu.memref_slice %arg4[%add3A, %dma_wait3A] : memref<32x16384xi32, #tpu.memory_space<hbm>> -> memref<1x16384xi32, #tpu.memory_space<hbm>>
      %dma_wait3A_28 = tpu.memref_squeeze %dma_wait3A_27 : memref<1x16384xi32, #tpu.memory_space<hbm>> -> memref<16384xi32, #tpu.memory_space<hbm>>
      %dma_wait3A_29 = arith.constant 0 : i32
      %dma_wait3A_30 = tpu.memref_slice %arg4[%add3A, %dma_wait3A_29] : memref<32x16384xi32, #tpu.memory_space<hbm>> -> memref<1x16384xi32, #tpu.memory_space<hbm>>
      %dma_wait3A_31 = tpu.memref_squeeze %dma_wait3A_30 : memref<1x16384xi32, #tpu.memory_space<hbm>> -> memref<16384xi32, #tpu.memory_space<hbm>>
      tpu.wait_dma2 semaphore(%run_scoped3A : memref<!tpu.dma_semaphore, #tpu.memory_space<semaphore_mem>>) src(%arg8 : memref<16384xi32, #tpu.memory_space<vmem>>) dst(%dma_wait3A_31 : memref<16384xi32, #tpu.memory_space<hbm>>)
      tpu.yield
    }) : () -> ()
    return
  }
}

#map = affine_map<(d0, d1) -> (0)>
module attributes {stable_mosaic.version = 14 : i64} {
  func.func @_pass4(%arg0: i32, %arg1: i32, %arg2: memref<16777216xf32, #tpu.memory_space<hbm>>, %arg3: memref<16xi32, #tpu.memory_space<hbm>>, %arg4: memref<16777216xf32, #tpu.memory_space<hbm>>, %arg5: memref<16384xf32, #tpu.memory_space<vmem>>, %arg6: memref<16384xf32, #tpu.memory_space<vmem>>, %arg7: memref<16384xf32, #tpu.memory_space<vmem>>, %arg8: memref<16384xf32, #tpu.memory_space<vmem>>, %arg9: memref<16xi32, #tpu.memory_space<vmem>>, %arg10: memref<!tpu.dma_semaphore, #tpu.memory_space<semaphore_mem>>, %arg11: memref<!tpu.dma_semaphore, #tpu.memory_space<semaphore_mem>>, %arg12: memref<!tpu.dma_semaphore, #tpu.memory_space<semaphore_mem>>, %arg13: memref<!tpu.dma_semaphore, #tpu.memory_space<semaphore_mem>>) attributes {dimension_semantics = [#tpu.dimension_semantics<core_parallel>, #tpu.dimension_semantics<subcore_parallel>], iteration_bounds = array<i64: 2, 16>, scalar_prefetch = 0 : i64, scratch_operands = 9 : i64, tpu.core_type = #tpu.core_type<sc_vector_subcore>, window_params = [{transform_indices = #map}, {transform_indices = #map}, {transform_indices = #map}]} {
    %mul3A = arith.constant 2 : i32
    %mul3A_0 = arith.muli %arg1, %mul3A : i32
    %add3A = arith.addi %mul3A_0, %arg0 : i32
    %mul3A_1 = arith.constant 524288 : i32
    %mul3A_2 = arith.muli %add3A, %mul3A_1 : i32
    %broadcast_in_dim3A = arith.constant 0.993307173 : f32
    %broadcast_in_dim3A_3 = vector.broadcast %broadcast_in_dim3A : f32 to vector<16xf32>
    %broadcast_in_dim3A_4 = arith.constant 0.00669285096 : f32
    %broadcast_in_dim3A_5 = vector.broadcast %broadcast_in_dim3A_4 : f32 to vector<16xf32>
    "tpu.region"() ({
      %run_scoped3A = tpu.sem_alloc : memref<!tpu.dma_semaphore, #tpu.memory_space<semaphore_mem>>
      tpu.enqueue_dma source(%arg3 : memref<16xi32, #tpu.memory_space<hbm>>) target(%arg9 : memref<16xi32, #tpu.memory_space<vmem>>) target_semaphore(%run_scoped3A : memref<!tpu.dma_semaphore, #tpu.memory_space<semaphore_mem>>)
      tpu.wait_dma2 semaphore(%run_scoped3A : memref<!tpu.dma_semaphore, #tpu.memory_space<semaphore_mem>>) src(%arg3 : memref<16xi32, #tpu.memory_space<hbm>>) dst(%arg9 : memref<16xi32, #tpu.memory_space<vmem>>)
      tpu.yield
    }) : () -> ()
    %get3A = arith.constant 0 : index
    %get3A_6 = tpu.vector_load %arg9[%get3A] {strides = array<i32>} : memref<16xi32, #tpu.memory_space<vmem>>, vector<16xi32>,
    %add3A_7 = arith.constant 0 : i32
    %add3A_8 = arith.addi %mul3A_2, %add3A_7 : i32
    %dma_start3A = tpu.memref_slice %arg2[%add3A_8] : memref<16777216xf32, #tpu.memory_space<hbm>> -> memref<16384xf32, #tpu.memory_space<hbm>>
    %dma_start3A_9 = tpu.memref_slice %arg2[%add3A_8] : memref<16777216xf32, #tpu.memory_space<hbm>> -> memref<16384xf32, #tpu.memory_space<hbm>>
    tpu.enqueue_dma source(%dma_start3A_9 : memref<16384xf32, #tpu.memory_space<hbm>>) target(%arg5 : memref<16384xf32, #tpu.memory_space<vmem>>) target_semaphore(%arg10 : memref<!tpu.dma_semaphore, #tpu.memory_space<semaphore_mem>>)
    %add3A_10 = arith.constant 16384 : i32
    %add3A_11 = arith.addi %mul3A_2, %add3A_10 : i32
    %dma_start3A_12 = tpu.memref_slice %arg2[%add3A_11] : memref<16777216xf32, #tpu.memory_space<hbm>> -> memref<16384xf32, #tpu.memory_space<hbm>>
    %dma_start3A_13 = tpu.memref_slice %arg2[%add3A_11] : memref<16777216xf32, #tpu.memory_space<hbm>> -> memref<16384xf32, #tpu.memory_space<hbm>>
    tpu.enqueue_dma source(%dma_start3A_13 : memref<16384xf32, #tpu.memory_space<hbm>>) target(%arg6 : memref<16384xf32, #tpu.memory_space<vmem>>) target_semaphore(%arg11 : memref<!tpu.dma_semaphore, #tpu.memory_space<semaphore_mem>>)
    %scan3A = arith.constant 0 : i32
    %scan3A_14 = arith.constant 0 : i32
    %scan3A_15 = arith.constant 16 : i32
    %scan3A_16 = arith.addi %scan3A_14, %scan3A_15 : i32
    %scan3A_17 = arith.constant 1 : i32
    scf.for %scan3A_26 = %scan3A_14 to %scan3A_16 step %scan3A_17  : i32 {
      %mul3A_27 = arith.constant 2 : i32
      %mul3A_28 = arith.muli %scan3A_26, %mul3A_27 : i32
      %add3A_29 = arith.constant 0 : i32
      %add3A_30 = arith.addi %mul3A_28, %add3A_29 : i32
      %dma_wait3A_31 = arith.constant 0 : i32
      %dma_wait3A_32 = tpu.memref_slice %arg2[%dma_wait3A_31] : memref<16777216xf32, #tpu.memory_space<hbm>> -> memref<16384xf32, #tpu.memory_space<hbm>>
      %dma_wait3A_33 = arith.constant 0 : i32
      %dma_wait3A_34 = tpu.memref_slice %arg2[%dma_wait3A_33] : memref<16777216xf32, #tpu.memory_space<hbm>> -> memref<16384xf32, #tpu.memory_space<hbm>>
      tpu.wait_dma2 semaphore(%arg10 : memref<!tpu.dma_semaphore, #tpu.memory_space<semaphore_mem>>) src(%dma_wait3A_34 : memref<16384xf32, #tpu.memory_space<hbm>>) dst(%arg5 : memref<16384xf32, #tpu.memory_space<vmem>>)
      %gt3A = arith.constant 0 : i32
      %gt3A_35 = arith.cmpi sgt, %scan3A_26, %gt3A : i32
      %convert_element_type3A = arith.extui %gt3A_35 : i1 to i32
      %cond3A = arith.constant 0 : i32
      %cond3A_36 = arith.cmpi ne, %convert_element_type3A, %cond3A : i32
      scf.if %cond3A_36 {
        %dma_wait3A_78 = arith.constant 0 : i32
        %dma_wait3A_79 = tpu.memref_slice %arg4[%dma_wait3A_78] : memref<16777216xf32, #tpu.memory_space<hbm>> -> memref<16384xf32, #tpu.memory_space<hbm>>
        %dma_wait3A_80 = arith.constant 0 : i32
        %dma_wait3A_81 = tpu.memref_slice %arg4[%dma_wait3A_80] : memref<16777216xf32, #tpu.memory_space<hbm>> -> memref<16384xf32, #tpu.memory_space<hbm>>
        tpu.wait_dma2 semaphore(%arg12 : memref<!tpu.dma_semaphore, #tpu.memory_space<semaphore_mem>>) src(%arg7 : memref<16384xf32, #tpu.memory_space<vmem>>) dst(%dma_wait3A_81 : memref<16384xf32, #tpu.memory_space<hbm>>)
      } else {
      }
      %parallel_loop3A = arith.constant 0 : i32
      %parallel_loop3A_37 = arith.constant 1024 : i32
      %parallel_loop3A_38 = arith.constant 1 : i32
      scf.for %parallel_loop3A_78 = %parallel_loop3A to %parallel_loop3A_37 step %parallel_loop3A_38  : i32 {
        %parallel_loop3A_79 = arith.constant 16 : i32
        %parallel_loop3A_80 = arith.muli %parallel_loop3A_78, %parallel_loop3A_79 : i32
        %parallel_loop3A_81 = arith.index_cast %parallel_loop3A_80 : i32 to index
        %parallel_loop3A_82 = tpu.vector_load %arg5[%parallel_loop3A_81] {strides = array<i32>} : memref<16384xf32, #tpu.memory_space<vmem>>, vector<16xf32>,
        %parallel_loop3A_83 = vector.bitcast %parallel_loop3A_82 : vector<16xf32> to vector<16xi32>
        %parallel_loop3A_84 = arith.constant 2147483647 : i32
        %parallel_loop3A_85 = vector.broadcast %parallel_loop3A_84 : i32 to vector<16xi32>
        %parallel_loop3A_86 = arith.andi %parallel_loop3A_83, %parallel_loop3A_85 : vector<16xi32>
        %parallel_loop3A_87 = arith.cmpi sgt, %parallel_loop3A_86, %get3A_6 : vector<16xi32>
        %parallel_loop3A_88 = arith.select %parallel_loop3A_87, %broadcast_in_dim3A_3, %broadcast_in_dim3A_5 : vector<16xi1>, vector<16xf32>
        %parallel_loop3A_89 = arith.mulf %parallel_loop3A_82, %parallel_loop3A_88 : vector<16xf32>
        %parallel_loop3A_90 = arith.index_cast %parallel_loop3A_80 : i32 to index
        %parallel_loop3A_91 = tpu.vector_load %arg7[%parallel_loop3A_90] {strides = array<i32>} : memref<16384xf32, #tpu.memory_space<vmem>>, vector<16xf32>,
        tpu.vector_store %arg7[%parallel_loop3A_90], %parallel_loop3A_89 {strides = array<i32>} : memref<16384xf32, #tpu.memory_space<vmem>>, vector<16xf32>,
      } {sc.loop_unroll_factor = 8 : i64, sc.parallel_access}
      %mul3A_39 = arith.constant 16384 : i32
      %mul3A_40 = arith.muli %add3A_30, %mul3A_39 : i32
      %add3A_41 = arith.addi %mul3A_2, %mul3A_40 : i32
      %dma_start3A_42 = tpu.memref_slice %arg4[%add3A_41] : memref<16777216xf32, #tpu.memory_space<hbm>> -> memref<16384xf32, #tpu.memory_space<hbm>>
      %dma_start3A_43 = tpu.memref_slice %arg4[%add3A_41] : memref<16777216xf32, #tpu.memory_space<hbm>> -> memref<16384xf32, #tpu.memory_space<hbm>>
      tpu.enqueue_dma source(%arg7 : memref<16384xf32, #tpu.memory_space<vmem>>) target(%dma_start3A_43 : memref<16384xf32, #tpu.memory_space<hbm>>) target_semaphore(%arg12 : memref<!tpu.dma_semaphore, #tpu.memory_space<semaphore_mem>>)
      %add3A_44 = arith.constant 2 : i32
      %add3A_45 = arith.addi %add3A_30, %add3A_44 : i32
      %lt3A = arith.constant 32 : i32
      %lt3A_46 = arith.cmpi slt, %add3A_45, %lt3A : i32
      %convert_element_type3A_47 = arith.extui %lt3A_46 : i1 to i32
      %cond3A_48 = arith.constant 0 : i32
      %cond3A_49 = arith.cmpi ne, %convert_element_type3A_47, %cond3A_48 : i32
      scf.if %cond3A_49 {
        %add3A_78 = arith.constant 2 : i32
        %add3A_79 = arith.addi %add3A_30, %add3A_78 : i32
        %mul3A_80 = arith.constant 16384 : i32
        %mul3A_81 = arith.muli %add3A_79, %mul3A_80 : i32
        %add3A_82 = arith.addi %mul3A_2, %mul3A_81 : i32
        %dma_start3A_83 = tpu.memref_slice %arg2[%add3A_82] : memref<16777216xf32, #tpu.memory_space<hbm>> -> memref<16384xf32, #tpu.memory_space<hbm>>
        %dma_start3A_84 = tpu.memref_slice %arg2[%add3A_82] : memref<16777216xf32, #tpu.memory_space<hbm>> -> memref<16384xf32, #tpu.memory_space<hbm>>
        tpu.enqueue_dma source(%dma_start3A_84 : memref<16384xf32, #tpu.memory_space<hbm>>) target(%arg5 : memref<16384xf32, #tpu.memory_space<vmem>>) target_semaphore(%arg10 : memref<!tpu.dma_semaphore, #tpu.memory_space<semaphore_mem>>)
      } else {
      }
      %mul3A_50 = arith.constant 2 : i32
      %mul3A_51 = arith.muli %scan3A_26, %mul3A_50 : i32
      %add3A_52 = arith.constant 1 : i32
      %add3A_53 = arith.addi %mul3A_51, %add3A_52 : i32
      %dma_wait3A_54 = arith.constant 0 : i32
      %dma_wait3A_55 = tpu.memref_slice %arg2[%dma_wait3A_54] : memref<16777216xf32, #tpu.memory_space<hbm>> -> memref<16384xf32, #tpu.memory_space<hbm>>
      %dma_wait3A_56 = arith.constant 0 : i32
      %dma_wait3A_57 = tpu.memref_slice %arg2[%dma_wait3A_56] : memref<16777216xf32, #tpu.memory_space<hbm>> -> memref<16384xf32, #tpu.memory_space<hbm>>
      tpu.wait_dma2 semaphore(%arg11 : memref<!tpu.dma_semaphore, #tpu.memory_space<semaphore_mem>>) src(%dma_wait3A_57 : memref<16384xf32, #tpu.memory_space<hbm>>) dst(%arg6 : memref<16384xf32, #tpu.memory_space<vmem>>)
      %gt3A_58 = arith.constant 0 : i32
      %gt3A_59 = arith.cmpi sgt, %scan3A_26, %gt3A_58 : i32
      %convert_element_type3A_60 = arith.extui %gt3A_59 : i1 to i32
      %cond3A_61 = arith.constant 0 : i32
      %cond3A_62 = arith.cmpi ne, %convert_element_type3A_60, %cond3A_61 : i32
      scf.if %cond3A_62 {
        %dma_wait3A_78 = arith.constant 0 : i32
        %dma_wait3A_79 = tpu.memref_slice %arg4[%dma_wait3A_78] : memref<16777216xf32, #tpu.memory_space<hbm>> -> memref<16384xf32, #tpu.memory_space<hbm>>
        %dma_wait3A_80 = arith.constant 0 : i32
        %dma_wait3A_81 = tpu.memref_slice %arg4[%dma_wait3A_80] : memref<16777216xf32, #tpu.memory_space<hbm>> -> memref<16384xf32, #tpu.memory_space<hbm>>
        tpu.wait_dma2 semaphore(%arg13 : memref<!tpu.dma_semaphore, #tpu.memory_space<semaphore_mem>>) src(%arg8 : memref<16384xf32, #tpu.memory_space<vmem>>) dst(%dma_wait3A_81 : memref<16384xf32, #tpu.memory_space<hbm>>)
      } else {
      }
      %parallel_loop3A_63 = arith.constant 0 : i32
      %parallel_loop3A_64 = arith.constant 1024 : i32
      %parallel_loop3A_65 = arith.constant 1 : i32
      scf.for %parallel_loop3A_78 = %parallel_loop3A_63 to %parallel_loop3A_64 step %parallel_loop3A_65  : i32 {
        %parallel_loop3A_79 = arith.constant 16 : i32
        %parallel_loop3A_80 = arith.muli %parallel_loop3A_78, %parallel_loop3A_79 : i32
        %parallel_loop3A_81 = arith.index_cast %parallel_loop3A_80 : i32 to index
        %parallel_loop3A_82 = tpu.vector_load %arg6[%parallel_loop3A_81] {strides = array<i32>} : memref<16384xf32, #tpu.memory_space<vmem>>, vector<16xf32>,
        %parallel_loop3A_83 = vector.bitcast %parallel_loop3A_82 : vector<16xf32> to vector<16xi32>
        %parallel_loop3A_84 = arith.constant 2147483647 : i32
        %parallel_loop3A_85 = vector.broadcast %parallel_loop3A_84 : i32 to vector<16xi32>
        %parallel_loop3A_86 = arith.andi %parallel_loop3A_83, %parallel_loop3A_85 : vector<16xi32>
        %parallel_loop3A_87 = arith.cmpi sgt, %parallel_loop3A_86, %get3A_6 : vector<16xi32>
        %parallel_loop3A_88 = arith.select %parallel_loop3A_87, %broadcast_in_dim3A_3, %broadcast_in_dim3A_5 : vector<16xi1>, vector<16xf32>
        %parallel_loop3A_89 = arith.mulf %parallel_loop3A_82, %parallel_loop3A_88 : vector<16xf32>
        %parallel_loop3A_90 = arith.index_cast %parallel_loop3A_80 : i32 to index
        %parallel_loop3A_91 = tpu.vector_load %arg8[%parallel_loop3A_90] {strides = array<i32>} : memref<16384xf32, #tpu.memory_space<vmem>>, vector<16xf32>,
        tpu.vector_store %arg8[%parallel_loop3A_90], %parallel_loop3A_89 {strides = array<i32>} : memref<16384xf32, #tpu.memory_space<vmem>>, vector<16xf32>,
      } {sc.loop_unroll_factor = 8 : i64, sc.parallel_access}
      %mul3A_66 = arith.constant 16384 : i32
      %mul3A_67 = arith.muli %add3A_53, %mul3A_66 : i32
      %add3A_68 = arith.addi %mul3A_2, %mul3A_67 : i32
      %dma_start3A_69 = tpu.memref_slice %arg4[%add3A_68] : memref<16777216xf32, #tpu.memory_space<hbm>> -> memref<16384xf32, #tpu.memory_space<hbm>>
      %dma_start3A_70 = tpu.memref_slice %arg4[%add3A_68] : memref<16777216xf32, #tpu.memory_space<hbm>> -> memref<16384xf32, #tpu.memory_space<hbm>>
      tpu.enqueue_dma source(%arg8 : memref<16384xf32, #tpu.memory_space<vmem>>) target(%dma_start3A_70 : memref<16384xf32, #tpu.memory_space<hbm>>) target_semaphore(%arg13 : memref<!tpu.dma_semaphore, #tpu.memory_space<semaphore_mem>>)
      %add3A_71 = arith.constant 2 : i32
      %add3A_72 = arith.addi %add3A_53, %add3A_71 : i32
      %lt3A_73 = arith.constant 32 : i32
      %lt3A_74 = arith.cmpi slt, %add3A_72, %lt3A_73 : i32
      %convert_element_type3A_75 = arith.extui %lt3A_74 : i1 to i32
      %cond3A_76 = arith.constant 0 : i32
      %cond3A_77 = arith.cmpi ne, %convert_element_type3A_75, %cond3A_76 : i32
      scf.if %cond3A_77 {
        %add3A_78 = arith.constant 2 : i32
        %add3A_79 = arith.addi %add3A_53, %add3A_78 : i32
        %mul3A_80 = arith.constant 16384 : i32
        %mul3A_81 = arith.muli %add3A_79, %mul3A_80 : i32
        %add3A_82 = arith.addi %mul3A_2, %mul3A_81 : i32
        %dma_start3A_83 = tpu.memref_slice %arg2[%add3A_82] : memref<16777216xf32, #tpu.memory_space<hbm>> -> memref<16384xf32, #tpu.memory_space<hbm>>
        %dma_start3A_84 = tpu.memref_slice %arg2[%add3A_82] : memref<16777216xf32, #tpu.memory_space<hbm>> -> memref<16384xf32, #tpu.memory_space<hbm>>
        tpu.enqueue_dma source(%dma_start3A_84 : memref<16384xf32, #tpu.memory_space<hbm>>) target(%arg6 : memref<16384xf32, #tpu.memory_space<vmem>>) target_semaphore(%arg11 : memref<!tpu.dma_semaphore, #tpu.memory_space<semaphore_mem>>)
      } else {
      }
    }
    %scan3A_18 = arith.constant 16 : i32
    %dma_wait3A = arith.constant 0 : i32
    %dma_wait3A_19 = tpu.memref_slice %arg4[%dma_wait3A] : memref<16777216xf32, #tpu.memory_space<hbm>> -> memref<16384xf32, #tpu.memory_space<hbm>>
    %dma_wait3A_20 = arith.constant 0 : i32
    %dma_wait3A_21 = tpu.memref_slice %arg4[%dma_wait3A_20] : memref<16777216xf32, #tpu.memory_space<hbm>> -> memref<16384xf32, #tpu.memory_space<hbm>>
    tpu.wait_dma2 semaphore(%arg12 : memref<!tpu.dma_semaphore, #tpu.memory_space<semaphore_mem>>) src(%arg7 : memref<16384xf32, #tpu.memory_space<vmem>>) dst(%dma_wait3A_21 : memref<16384xf32, #tpu.memory_space<hbm>>)
    %dma_wait3A_22 = arith.constant 0 : i32
    %dma_wait3A_23 = tpu.memref_slice %arg4[%dma_wait3A_22] : memref<16777216xf32, #tpu.memory_space<hbm>> -> memref<16384xf32, #tpu.memory_space<hbm>>
    %dma_wait3A_24 = arith.constant 0 : i32
    %dma_wait3A_25 = tpu.memref_slice %arg4[%dma_wait3A_24] : memref<16777216xf32, #tpu.memory_space<hbm>> -> memref<16384xf32, #tpu.memory_space<hbm>>
    tpu.wait_dma2 semaphore(%arg13 : memref<!tpu.dma_semaphore, #tpu.memory_space<semaphore_mem>>) src(%arg8 : memref<16384xf32, #tpu.memory_space<vmem>>) dst(%dma_wait3A_25 : memref<16384xf32, #tpu.memory_space<hbm>>)
    return
  }
}

</mosaic_0001>

<sc_bundles>
// kernel: kernel.12.cloned.1.call-start
scs
__scs_entry_jumppad:
0x0: {  	(pc) =	sbr.rel $0x88, $3  }
0x1: {  	(tag) =	ssettag $0x0;
	lr =	simm.s32 $0x1  }
0x2: {  	[smem:$0x3F9F] =	sst lr;
	_ =	strace $0xD0000000  }
0x3: {  	_ = 	snop  }
0x4: {  	_ = 	snop  }
0x5: {  	_ = 	snop  }
0x6: {  	_ = 	snop  }
0x7: {  	_ = 	snop  }
__scs_overlays_trampoline_lowered:
0x8: {  	[smem:$0x3FAE] =	sst s0  }
0x9: {  	[smem:$0x3FAF] =	sst s1  }
0xa: {  	[smem:$0x3FB0] =	sst s2  }
0xb: {  	[smem:$0x3FB1] =	sst s3  }
0xc: {  	[smem:$0x3FB2] =	sst s4  }
0xd: {  	[smem:$0x3FB3] =	sst s5  }
0xe: {  	[smem:$0x3FB4] =	sst s6  }
0xf: {  	[smem:$0x3FB5] =	sst s7  }
0x10: {  	[smem:$0x3FB6] =	sst s8  }
0x11: {  	[smem:$0x3FB7] =	sst s9;
	s0 =	simm.s32 @!p0 $0x0  }
0x12: {  	s1 =	sld [smem:$0x3F9D];
	s0 =	simm.s32 @p0 $0x1  }
0x13: {  	[smem:$0x3FB8] =	sst s0;
	s0 =	simm.s32 @!p1 $0x0  }
0x14: {  	s2 =	sld [smem:$0x3F9C];
	s0 =	simm.s32 @p1 $0x1  }
0x15: {  	[smem:$0x3FB9] =	sst s0;
	s0 =	simm.s32 @!p2 $0x0  }
0x16: {  	s3 =	sld [smem:$0x3FDB];
	s0 =	simm.s32 @p2 $0x1  }
0x17: {  	s4 =	simm.s32 $0x1BF5;
	[smem:$0x3FBB] =	sst s0  }
0x18: {  	s0 =	sld [smem:$0x3F9E];
	_ =	swait.ge [sflag:s4], $0x0  }
0x19: {  	s7 =	sld [smem:$0x3F9F]  }
0x1a: {  	s8 =	sadd.s32 $0xFFFFE003, lr  }
0x1b: {  	s9 =	sadd.s32 $0xFFFFFEF7, lr;
	s5 =	simm.s32 $0xFFFFFFFF;
	p2 =	slt.u32 s8, $0xFFFFF086  }
0x1c: {  	p1 =	slt.u32 s9, $0xF7A;
	s5 =	simm.s32 @!p2 $0x0  }
0x1d: {  	s5 =	simm.s32 @p1 $0x1;
	p0 =	seq.s32 s7, s2  }
0x1e: {  	s7 =	smul.u32 @!p0 $0xF7A, s2;
	p2 =	seq.s32 @!p0 s5, $0x0  }
0x1f: {  	s9 =	smul.u32 $0xF7A, s1;
	s8 =	simm.s32 @!p0 $0x1BF5;
	p2 =	por !p2, p0  }
0x20: {  	[sflag:s8] =	ssyncset.s32 @!p0 $0xFFFFF086;
	s6 =	sadd.s32 @!p0 s3, s7;
	s7 =	simm.s32 @!p0 $0x108  }
0x21: {  	s3 =	sadd.s32 s3, s9;
	s6 =	sadd.s32 @!p0 $0x88, s6;
	s7 =	simm.s32 @p2 $0x1082  }
0x22: {  	[simem:s7], [sflag:s8] =	dma.local @!p0 [hbm:s6], $0xF7A  }
0x23: {  	s9 =	sor.u32 $0xD0000000, s2;
	s6 =	simm.s32 $0x108;
	_ =	swait.ge @!p0 [sflag:s8], $0x0  }
0x24: {  	s3 =	sadd.s32 $0x88, s3;
	s6 =	simm.s32 @!p1 $0x1082;
	[sflag:s4] =	ssyncset.s32 $0xFFFFF086  }
0x25: {  	[simem:s6], [sflag:s4] =	dma.local [hbm:s3], $0xF7A  }
0x26: {  	[smem:$0x3F9F] =	sst s1;
	(tag) =	ssettag s2;
	_ =	strace s9  }
0x27: {  	s1 =	sld [smem:$0x3FAF]  }
0x28: {  	s2 =	sld [smem:$0x3FB0]  }
0x29: {  	s4 =	sld [smem:$0x3FB2]  }
0x2a: {  	p0 =	seq.s32 s5, $0x0;
	s5 =	sld [smem:$0x3FB3]  }
0x2b: {  	s6 =	sld [smem:$0x3FB4]  }
0x2c: {  	s7 =	sld [smem:$0x3FB5]  }
0x2d: {  	s3 =	simm.s32 $0x108;
	s8 =	sld [smem:$0x3FB6]  }
0x2e: {  	s3 =	simm.s32 @!p0 $0x1082;
	s9 =	sld [smem:$0x3FB7]  }
0x2f: {  	lr =	sadd.s32 s0, s3;
	s0 =	sld [smem:$0x3FAE]  }
0x30: {  	s3 =	sld [smem:$0x3FB1]  }
0x31: {  	[smem:$0x3FBA] =	sst s10  }
0x32: {  	s10 =	sld [smem:$0x3FB8];
	_ =	sdelay $0x3  }
0x33: {  	p0 =	seq.s32 s10, $0x1;
	s10 =	sld [smem:$0x3FBA];
	_ =	sdelay $0x3  }
0x34: {  	[smem:$0x3FBA] =	sst s10  }
0x35: {  	s10 =	sld [smem:$0x3FB9];
	_ =	sdelay $0x3  }
0x36: {  	p1 =	seq.s32 s10, $0x1;
	s10 =	sld [smem:$0x3FBA];
	_ =	sdelay $0x3  }
0x37: {  	[smem:$0x3FBA] =	sst s10  }
0x38: {  	s10 =	sld [smem:$0x3FBB]  }
0x39: {  	_ = 	snop;
	(pc) =	sbr.ind lr, $3  }
0x3a: {  	_ = 	snop  }
0x3b: {  	_ = 	snop  }
0x3c: {  	p2 =	seq.s32 s10, $0x1;
	s10 =	sld [smem:$0x3FBA]  }
0x3d: {  	_ =	shalt  }
0x3e: {  	_ =	shalt  }
0x3f: {  	_ =	shalt  }
0x40: {  	_ =	shalt  }
0x41: {  	_ =	shalt  }
0x42: {  	_ =	shalt  }
0x43: {  	_ =	shalt  }
0x44: {  	_ =	shalt  }
0x45: {  	_ =	shalt  }
0x46: {  	_ =	shalt  }
0x47: {  	_ =	shalt  }
0x48: {  	_ =	shalt  }
0x49: {  	_ =	shalt  }
0x4a: {  	_ =	shalt  }
0x4b: {  	_ =	shalt  }
0x4c: {  	_ =	shalt  }
0x4d: {  	_ =	shalt  }
0x4e: {  	_ =	shalt  }
0x4f: {  	_ =	shalt  }
0x50: {  	_ =	shalt  }
0x51: {  	_ =	shalt  }
0x52: {  	_ =	shalt  }
0x53: {  	_ =	shalt  }
0x54: {  	_ =	shalt  }
0x55: {  	_ =	shalt  }
0x56: {  	_ =	shalt  }
0x57: {  	_ =	shalt  }
0x58: {  	_ =	shalt  }
0x59: {  	_ =	shalt  }
0x5a: {  	_ =	shalt  }
0x5b: {  	_ =	shalt  }
0x5c: {  	_ =	shalt  }
0x5d: {  	_ =	shalt  }
0x5e: {  	_ =	shalt  }
0x5f: {  	_ =	shalt  }
0x60: {  	_ =	shalt  }
0x61: {  	_ =	shalt  }
0x62: {  	_ =	shalt  }
0x63: {  	_ =	shalt  }
0x64: {  	_ =	shalt  }
0x65: {  	_ =	shalt  }
0x66: {  	_ =	shalt  }
0x67: {  	_ =	shalt  }
0x68: {  	_ =	shalt  }
0x69: {  	_ =	shalt  }
0x6a: {  	_ =	shalt  }
0x6b: {  	_ =	shalt  }
0x6c: {  	_ =	shalt  }
0x6d: {  	_ =	shalt  }
0x6e: {  	_ =	shalt  }
0x6f: {  	_ =	shalt  }
0x70: {  	_ =	shalt  }
0x71: {  	_ =	shalt  }
0x72: {  	_ =	shalt  }
0x73: {  	_ =	shalt  }
0x74: {  	_ =	shalt  }
0x75: {  	_ =	shalt  }
0x76: {  	_ =	shalt  }
0x77: {  	_ =	shalt  }
0x78: {  	_ =	shalt  }
0x79: {  	_ =	shalt  }
0x7a: {  	_ =	shalt  }
0x7b: {  	_ =	shalt  }
0x7c: {  	_ =	shalt  }
0x7d: {  	_ =	shalt  }
0x7e: {  	_ =	shalt  }
0x7f: {  	_ =	shalt  }
0x80: {  	_ =	shalt  }
0x81: {  	_ =	shalt  }
0x82: {  	_ =	shalt  }
0x83: {  	_ =	shalt  }
0x84: {  	_ =	shalt  }
0x85: {  	_ =	shalt  }
0x86: {  	_ =	shalt  }
0x87: {  	_ =	shalt  }
.Lfunc_end0:
.L_simem_size_0:
called_computation.2_lowered:
.L_overlay_start_0:
0x88: {  	s2 =	sld [smem:$0x3FD9]  }
0x89: {  	s3 =	sld [smem:$0x3FFE];
	_ =	sdelay $0x1  }
0x8a: {  	s1 =	srdreg.scid  }
0x8b: {  	s0 =	sand.u32 $0x1, s1  }
0x8c: {  	s14 =	sshll.u32 s0, $0xA;
	s2 =	sadd.s32 s3, s2  }
0x8d: {  	s2 =	sadd.s32 s2, s14  }
0x8e: {  	[smem:$0x3FC6] =	sst s2  }
0x8f: {  	_ = 	snop  }
0x90: {  	s2 =	sld [smem:$0x3FD0];
	_ =	sdelay $0x2  }
0x91: {  	s15 =	simm.s32 $0xA;
	s4 =	simm.s32 $0x10  }
0x92: {  	[smem:s4], [sflag:s15] =	dma.local [hbm:s2], $0x1  }
0x93: {  	_ =	swait.eq [sflag:s15], $0x1  }
0x94: {  	[sflag:s15] =	ssyncset.done $0x0  }
0x95: {  	[sflag:s15] =	ssyncadd.s32 $0xFFFFFFFF  }
0x96: {  	s16 =	sld [smem:$0x10];
	(tm) =	ssettm $0x1  }
0x97: {  	s17 =	sld [smem:$0x3FFB];
	_ =	sdelay $0x3  }
0x98: {  	_ =	strace s17  }
0x99: {  	s3 =	sld [smem:$0x3FFC];
	_ =	sdelay $0x3  }
0x9a: {  	_ =	strace s3  }
0x9b: {  	s3 =	sld [smem:$0x3FFD];
	_ =	sdelay $0x3  }
0x9c: {  	_ =	strace s3  }
0x9d: {  	_ =	strace $0x8FFFFFFF  }
0x9e: {  	s18 =	sld [smem:$0x3FDB];
	_ =	sdelay $0x1  }
0x9f: {  	s19 =	simm.s32 $_scs_section_size  }
0xa0: {  	s5 =	simm.s32 $_size__tile_overlayer_lowered;
	s6 =	simm.s32 $_tile_overlayer_lowered  }
0xa1: {  	s22 =	simm.s32 $0x1BFF;
	s21 =	sshll.u32 s6, $0x1;
	s3 =	sadd.s32 s19, s18  }
0xa2: {  	s7 =	simm.s32 $0x0;
	s20 =	sshll.u32 s5, $0x1;
	s5 =	sadd.s32 s21, s3  }
0xa3: {  	[timem:s7], [sflag:s22] =	dma.local [hbm:s5], s20  }
0xa4: {  	_ =	swait.ge [sflag:s22], s20  }
0xa5: {  	s4 =	ssub.s32 $0x0, s20;
	[sflag:s22] =	ssyncset.done $0x0  }
0xa6: {  	[sflag:s22] =	ssyncadd.s32 s4;
	_ =	sdelay $0x1  }
0xa7: {  	s23 =	simm.s32 $0x1B8B  }
0xa8: {  	_ =	swait.ge [sflag:s23], $0x1  }
0xa9: {  	[sflag:s23] =	ssyncset.done $0x0  }
0xaa: {  	s25 =	simm.s32 $0x1B8E;
	s24 =	sld [smem:$0x3FFE];
	[sflag:s23] =	ssyncadd.s32 $0xFFFFFFFF  }
0xab: {  	s26 =	simm.s32 $execute0_lowered;
	[smem:$0x3FD2] =	sst s25  }
0xac: {  	s5 =	sshll.u32 s26, $0x1;
	_ =	strace $0x8000004C;
	[dreg:$0x1] =	wrdreg $0xFFFFFFFF  }
0xad: {  	s28 =	simm.s32 $_size_execute0_lowered;
	s3 =	sadd.s32 s3, s5;
	[dreg:$0x0] =	wrdreg $0x0  }
0xae: {  	s5 =	sshll.u32 s28, $0x1;
	[dreg:$0x2] =	wrdreg s3  }
0xaf: {  	[dreg:$0x3] =	wrdreg s5  }
0xb0: {  	[dreg:$0x4] =	wrdreg $0xC0  }
0xb1: {  	_ =	task [dreg:s7], $0x5FFFF  }
0xb2: {  	[dreg:$0x1] =	wrdreg $0xFFFFFFFF  }
0xb3: {  	[dreg:$0x0] =	wrdreg $0x60  }
0xb4: {  	[dreg:$0x2] =	wrdreg s24  }
0xb5: {  	[dreg:$0x3] =	wrdreg s16  }
0xb6: {  	[dreg:$0x4] =	wrdreg $0x9  }
0xb7: {  	_ =	task.clear_ibuf [dreg:s7], $0x5FFFF;
	_ =	strace $0x9000004C  }
0xb8: {  	s29 =	simm.s32 $0x9;
	_ =	strace $0x8000004E  }
0xb9: {  	_ =	swait.ge [sflag:s29], $0x1  }
0xba: {  	[sflag:s29] =	ssyncadd.s32 $0xFFFFFFFF  }
0xbb: {  	_ =	strace $0x9000004E  }
0xbc: {  	_ =	sfence  }
0xbd: {  	s30 =	sld [smem:$0x0];
	_ =	sdelay $0x2  }
0xbe: {  	s31 =	sshll.u32 s1, $0xD;
	s1 =	sshrl.u32 s1, $0x2  }
0xbf: {  	s3 =	sand.u32 $0x4000, s31;
	s1 =	sadd.s32 s1, s30  }
0xc0: {  	s0 =	sor.u32 s3, s0;
	s1 =	sshll.u32 s1, $0x11  }
0xc1: {  	s0 =	sor.u32 s1, s0  }
0xc2: {  	s0 =	sadd.s32 $0x8F2B, s0  }
0xc3: {  	[sflag:s0] =	ssyncadd.remote.s32 $0x1  }
0xc4: {  	_ =	sfence.sel $0xFFFF  }
0xc5: {  	[dreg:$0x0] =	wrdreg $0xFFFFFFFF;
	(pc) =	sbr.abs _section_cstart, $3  }
0xc6: {  	[dreg:$0x1] =	wrdreg $0xFFFFFFFF  }
0xc7: {  	_ =	task.clear_ibuf [dreg:s7], $0x2FFFF;
	_ =	strace $0x9FFFFFFF  }
0xc8: {  	(tm) =	ssettm $0x7FFFFFFF  }
0xc9: {  	_ =	shalt  }
tec
execute0_lowered:
.L_overlay_start_1:
0x0: {  	(tag) =	ssettag $0x1  }
0x1: {  	s1 =	rddreg [dreg:$0x0]  }
0x2: {  	s8 =	rddreg [dreg:$0x1]  }
0x3: {  	s0 =	rddreg [dreg:$0x2];
	s4 =	srdreg.scid;
	s3 =	simm.s32 $0x0  }
0x4: {  	s2 =	stileid.u32;
	s13 =	simm.s32 $0x8000;
	s14 =	simm.s32 $0x1  }
0x5: {  	s15 =	simm.s32 $0x10080;
	s16 =	simm.s32 $0x2;
	s17 =	simm.s32 $0x80  }
0x6: {  	s18 =	simm.s32 $0x400;
	s19 =	simm.s32 $0x0;
	s4 =	sand.u32 $0x1, s4  }
0x7: {  	[smem:$0x7FF] =	sst s3;
	s6 =	sshll.u32 s2, $0x1;
	s31 =	sshll.u32 s2, $0xC  }
0x8: {  	s5 =	ssub.s32 $0x2, s4;
	_ =	strace $0x8000004D;
	s9 =	sor.u32 s4, s6  }
0x9: {  	s4 =	sadd.s32 $0x200200, s1;
	s12 =	sand.u32 $0xC000, s31;
	s7 =	sshrl.u32 s5, $0x1  }
.Ltmp0:
0xa: {  	s30 =	sshll.u32 s9, $0x10;
	s11 =	sshll.u32 s9, $0x13;
	(pc) =	sbr.rel .LBB2_1-.Ltmp0, $4  }
0xb: {  	s9 =	sshll.u32 s9, $0x4;
	s12 =	sadd.s32 s8, s12;
	s10 =	ssub.s32 s5, s7  }
0xc: {  	s5 =	sadd.s32 s1, s30;
	s7 =	sor.u32 $0x10000, s11;
	s9 =	sand.u32 $0x70, s9  }
0xd: {  	s8 =	sor.u32 $0x18000, s11;
	s11 =	simm.s32 $0x10000;
	s6 =	sadd.s32 $0x1000, s5  }
0xe: {  	v0 =	vimm.s32 $0x0;
	v1 =	vlaneseq.u32;
	v2 =	vimm.s32 $0x1;
	s9 =	sadd.s32 s9, s12;
	s10 =	smax.u32 s10, $0x1;
	s12 =	simm.s32 $0x3  }
.LBB2_10:
0xf: {  	s19 =	sadd.s32 $0x1, s19  }
0x10: {  	p0 =	sne.s32 s19, s10  }
.Ltmp1:
0x11: {  	_ = 	snop;
	(pc) =	sbr.rel @!p0 .LBB2_11-.Ltmp1, $4  }
0x12: {  	[hbm4b:s9+s17] =	stream.strided.scatter [tilespmem:s15], [sflag:$0x3], $0x4000, s18, s17, $0x38;
	[tilespmem:$0x14080] =	vst v63  }
0x13: {  	_ =	swait.ge [sflag:s12], $0x4000  }
0x14: {  	[sflag:s12] =	ssyncset.done $0x0  }
0x15: {  	[sflag:s12] =	ssyncadd.s32 $0xFFFFC000  }
.LBB2_1:
0x16: {  	s20 =	simm.s32 $0x100C0  }
0x17: {  	[tilespmem:s20+$0xFFFFFFC0] =	vst v0  }
0x18: {  	[tilespmem:s20+$0x30] =	vst v0  }
0x19: {  	[tilespmem:s20+$0x20] =	vst v0  }
0x1a: {  	[tilespmem:s20+$0x10] =	vst v0  }
0x1b: {  	[tilespmem:s20+$0x0] =	vst v0  }
0x1c: {  	[tilespmem:s20+$0xFFFFFFF0] =	vst v0  }
0x1d: {  	s21 =	simm.s32 $0x0;
	[tilespmem:s20+$0xFFFFFFE0] =	vst v0  }
.LBB2_2:
0x1e: {  	s21 =	sadd.s32 $0x8, s21;
	[tilespmem:s20+$0xFFFFFFD0] =	vst v0;
	s20 =	sadd.s32 $0x80, s20  }
0x1f: {  	[tilespmem:s20+$0xFFFFFFC0] =	vst v0;
	p0 =	slt.u32 s21, $0x3F8  }
0x20: {  	[tilespmem:s20+$0x30] =	vst v0  }
.Ltmp2:
0x21: {  	[tilespmem:s20+$0x20] =	vst v0;
	(pc) =	sbr.rel @p0 .LBB2_2-.Ltmp2, $4  }
0x22: {  	[tilespmem:s20+$0x10] =	vst v0  }
0x23: {  	[tilespmem:s20+$0x0] =	vst v0  }
0x24: {  	[tilespmem:s20+$0xFFFFFFF0] =	vst v0  }
0x25: {  	[tilespmem:s20+$0xFFFFFFE0] =	vst v0  }
0x26: {  	[tilespmem:s20+$0xFFFFFFD0] =	vst v0;
	s20 =	simm.s32 $0x0  }
0x27: {  	[tilespmem:s11], [sflag:$0x3] =	stream.linear.gather [hbm4b:s4+s20], $0x80, $0x38;
	[tilespmem:$0x14080] =	vst v63  }
0x28: {  	_ =	swait.ge [sflag:s12], $0x80  }
0x29: {  	[sflag:s12] =	ssyncset.done $0x0  }
0x2a: {  	[sflag:s12] =	ssyncadd.s32 $0xFFFFFF80  }
0x2b: {  	v3 =	vld [tilespmem:$0x10000];
	_ =	sdelay $0x1  }
0x2c: {  	[tilespmem:s20], [sflag:$0x1] =	stream.linear.gather [hbm4b:s5+s20], $0x8000, $0x38;
	[tilespmem:$0x14080] =	vst v63  }
0x2d: {  	_ = 	snop  }
0x2e: {  	[tilespmem:s13], [sflag:$0x2] =	stream.linear.gather [hbm4b:s6+s20], $0x8000, $0x38;
	[tilespmem:$0x14080] =	vst v63  }
.LBB2_4:
0x2f: {  	_ =	swait.ge [sflag:s14], $0x8000  }
0x30: {  	[sflag:s14] =	ssyncset.done $0x0  }
0x31: {  	s22 =	simm.s32 $0x40;
	[sflag:s14] =	ssyncadd.s32 $0xFFFF8000  }
0x32: {  	v4 =	vld [tilespmem:s22+$0xFFFFFFD0]  }
0x33: {  	v5 =	vld [tilespmem:s22+$0x30]  }
0x34: {  	v7 =	vld [tilespmem:s22+$0xFFFFFFC0]  }
0x35: {  	v6 =	vld [tilespmem:s22+$0xFFFFFFE0]  }
0x36: {  	v8 =	vld [tilespmem:s22+$0x0];
	_ =	sdelay $0x1  }
0x37: {  	v9 =	vshrl.u32 v4, $0xA;
	v4 =	vshll.u32 v4, $0x4  }
0x38: {  	v10 =	vshrl.u32 v5, $0xA;
	v14 =	vshrl.u32 v7, $0xA;
	v11 =	vand.u32 $0x1FFFFF, v9  }
0x39: {  	v16 =	vshrl.u32 v6, $0xA;
	v4 =	vor.u32 v1, v4;
	v9 =	vld [tilespmem:s22+$0x20];
	vm0 =	veq.s32 v11, v3  }
0x3a: {  	v13 =	vld [tilespmem:s22+$0xFFFFFFF0];
	v15 =	vshrl.u32 v8, $0xA;
	v16 =	vand.u32 $0x1FFFFF, v16;
	v12 =	vand.u32 $0x3FFF, v4  }
0x3b: {  	v15 =	vand.u32 $0x1FFFFF, v15;
	v4 =	vshll.u32 v7, $0x4;
	v7 =	vshll.u32 v6, $0x4  }
0x3c: {  	v6 =	vshll.u32 v8, $0x4;
	v11 =	vand.u32 $0x1FFFFF, v14;
	v4 =	vor.u32 v1, v4  }
0x3d: {  	v7 =	vor.u32 v1, v7;
	v6 =	vor.u32 v1, v6;
	v4 =	vand.u32 $0x3FFF, v4  }
0x3e: {  	s21 =	simm.s32 $0x0;
	v8 =	vld [tilespmem:s22+$0x10];
	s22 =	simm.s32 $0xC0;
	v7 =	vand.u32 $0x3FFF, v7;
	v6 =	vand.u32 $0x3FFF, v6;
	v14 =	vshrl.u32 v9, $0xA  }
.LBB2_5:
0x3f: {  	s21 =	sadd.s32 $0x8, s21;
	[tilespmem:v12+s15+$0x0] =	vst.idx.add.s32.msk vm0, v2;
	vm0 =	veq.s32 v16, v3;
	v12 =	vshrl.u32 v13, $0xA;
	v9 =	vshll.u32 v9, $0x4  }
0x40: {  	v13 =	vshll.u32 v13, $0x4;
	v16 =	vld [tilespmem:s22+$0xFFFFFFD0];
	p0 =	slt.u32 s21, $0x7F8;
	v17 =	vor.u32 v1, v9;
	v9 =	vand.u32 $0x1FFFFF, v10  }
0x41: {  	vm3 =	veq.s32 v15, v3;
	v5 =	vshll.u32 v5, $0x4;
	v10 =	vor.u32 v1, v13;
	v18 =	vld [tilespmem:s22+$0xFFFFFFE0]  }
0x42: {  	v12 =	vand.u32 $0x1FFFFF, v12;
	vm2 =	veq.s32 v9, v3;
	v9 =	vor.u32 v1, v5;
	v15 =	vld [tilespmem:s22+$0x0]  }
0x43: {  	v14 =	vand.u32 $0x1FFFFF, v14;
	v13 =	vshll.u32 v8, $0x4;
	v19 =	vand.u32 $0x3FFF, v9;
	v5 =	vld [tilespmem:s22+$0x30]  }
0x44: {  	vm5 =	veq.s32 v14, v3;
	vm1 =	veq.s32 v12, v3;
	v12 =	vor.u32 v1, v13;
	v20 =	vld [tilespmem:s22+$0xFFFFFFC0]  }
0x45: {  	vm4 =	veq.s32 v11, v3;
	v8 =	vshrl.u32 v8, $0xA;
	v11 =	vand.u32 $0x3FFF, v17;
	v9 =	vld [tilespmem:s22+$0x20]  }
0x46: {  	v17 =	vand.u32 $0x3FFF, v10;
	v10 =	vand.u32 $0x1FFFFF, v8;
	v14 =	vand.u32 $0x3FFF, v12;
	v13 =	vld [tilespmem:s22+$0xFFFFFFF0]  }
0x47: {  	vm6 =	veq.s32 v10, v3;
	v12 =	vshrl.u32 v16, $0xA;
	v16 =	vshll.u32 v16, $0x4;
	v8 =	vld [tilespmem:s22+$0x10]  }
0x48: {  	v12 =	vand.u32 $0x1FFFFF, v12;
	v16 =	vor.u32 v1, v16;
	v10 =	vshrl.u32 v5, $0xA;
	[tilespmem:v7+s15+$0x0] =	vst.idx.add.s32.msk vm0, v2  }
0x49: {  	vm0 =	veq.s32 v12, v3;
	v12 =	vand.u32 $0x3FFF, v16;
	v7 =	vshrl.u32 v20, $0xA;
	[tilespmem:v6+s15+$0x0] =	vst.idx.add.s32.msk vm3, v2  }
.Ltmp3:
0x4a: {  	v16 =	vshll.u32 v18, $0x4;
	v6 =	vshll.u32 v20, $0x4;
	v20 =	vshrl.u32 v15, $0xA;
	[tilespmem:v11+s15+$0x0] =	vst.idx.add.s32.msk vm5, v2;
	(pc) =	sbr.rel @p0 .LBB2_5-.Ltmp3, $4  }
0x4b: {  	v18 =	vshrl.u32 v18, $0xA;
	v6 =	vor.u32 v1, v6;
	v11 =	vshll.u32 v15, $0x4;
	[tilespmem:v19+s15+$0x0] =	vst.idx.add.s32.msk vm2, v2  }
0x4c: {  	v15 =	vor.u32 v1, v16;
	v16 =	vor.u32 v1, v11;
	[tilespmem:v4+s15+$0x0] =	vst.idx.add.s32.msk vm4, v2;
	v4 =	vand.u32 $0x3FFF, v6  }
0x4d: {  	v11 =	vand.u32 $0x1FFFFF, v7;
	v7 =	vand.u32 $0x3FFF, v15;
	v6 =	vand.u32 $0x3FFF, v16;
	[tilespmem:v14+s15+$0x0] =	vst.idx.add.s32.msk vm6, v2  }
0x4e: {  	s22 =	sadd.s32 $0x80, s22;
	v15 =	vand.u32 $0x1FFFFF, v20;
	v16 =	vand.u32 $0x1FFFFF, v18;
	v14 =	vshrl.u32 v9, $0xA;
	[tilespmem:v17+s15+$0x0] =	vst.idx.add.s32.msk vm1, v2  }
0x4f: {  	vm1 =	veq.s32 v16, v3;
	v16 =	vshrl.u32 v13, $0xA;
	v9 =	vshll.u32 v9, $0x4  }
0x50: {  	v13 =	vshll.u32 v13, $0x4;
	v10 =	vand.u32 $0x1FFFFF, v10;
	vm2 =	veq.s32 v15, v3  }
0x51: {  	v5 =	vshll.u32 v5, $0x4;
	v14 =	vand.u32 $0x1FFFFF, v14;
	vm5 =	veq.s32 v11, v3  }
0x52: {  	v9 =	vor.u32 v1, v9;
	vm3 =	veq.s32 v10, v3;
	v5 =	vor.u32 v1, v5  }
0x53: {  	vm4 =	veq.s32 v14, v3;
	v10 =	vshll.u32 v8, $0x4;
	v8 =	vshrl.u32 v8, $0xA  }
0x54: {  	v11 =	vand.u32 $0x1FFFFF, v16;
	v9 =	vand.u32 $0x3FFF, v9;
	v8 =	vand.u32 $0x1FFFFF, v8  }
0x55: {  	[tilespmem:v12+s15+$0x0] =	vst.idx.add.s32.msk vm0, v2;
	v5 =	vand.u32 $0x3FFF, v5;
	v10 =	vor.u32 v1, v10;
	vm0 =	veq.s32 v8, v3  }
0x56: {  	vm6 =	veq.s32 v11, v3;
	v8 =	vor.u32 v1, v13;
	v10 =	vand.u32 $0x3FFF, v10;
	[tilespmem:v7+s15+$0x0] =	vst.idx.add.s32.msk vm1, v2  }
0x57: {  	v7 =	vand.u32 $0x3FFF, v8;
	[tilespmem:v6+s15+$0x0] =	vst.idx.add.s32.msk vm2, v2  }
0x58: {  	[tilespmem:v4+s15+$0x0] =	vst.idx.add.s32.msk vm5, v2  }
0x59: {  	s21 =	sshll.u32 s20, $0x10;
	p0 =	seq.s32 s20, $0x7;
	[tilespmem:v9+s15+$0x0] =	vst.idx.add.s32.msk vm4, v2  }
0x5a: {  	s22 =	sadd.s32 @!p0 s21, s7;
	[tilespmem:v5+s15+$0x0] =	vst.idx.add.s32.msk vm3, v2  }
0x5b: {  	s22 =	sshrl.u32 @!p0 s22, $0x3;
	[tilespmem:v10+s15+$0x0] =	vst.idx.add.s32.msk vm0, v2  }
0x5c: {  	s23 =	simm.s32 @!p0 $0x0;
	s22 =	sadd.s32 @!p0 s1, s22;
	[tilespmem:v7+s15+$0x0] =	vst.idx.add.s32.msk vm6, v2  }
0x5d: {  	[tilespmem:s23], [sflag:$0x1] =	stream.linear.gather @!p0 [hbm4b:s22+s23], $0x8000, $0x38;
	[tilespmem:$0x14080] =	vst v63  }
0x5e: {  	_ =	swait.ge [sflag:s16], $0x8000  }
0x5f: {  	[sflag:s16] =	ssyncset.done $0x0  }
0x60: {  	s31 =	simm.s32 $0x8040;
	[sflag:s16] =	ssyncadd.s32 $0xFFFF8000  }
0x61: {  	v4 =	vld [tilespmem:s31+$0xFFFFFFD0]  }
0x62: {  	v5 =	vld [tilespmem:s31+$0x30]  }
0x63: {  	v7 =	vld [tilespmem:s31+$0xFFFFFFC0]  }
0x64: {  	v6 =	vld [tilespmem:s31+$0xFFFFFFE0]  }
0x65: {  	v8 =	vld [tilespmem:s31+$0x0];
	_ =	sdelay $0x1  }
0x66: {  	v9 =	vshrl.u32 v4, $0xA;
	v4 =	vshll.u32 v4, $0x4  }
0x67: {  	v10 =	vshrl.u32 v5, $0xA;
	v14 =	vshrl.u32 v7, $0xA;
	v11 =	vand.u32 $0x1FFFFF, v9  }
0x68: {  	v16 =	vshrl.u32 v6, $0xA;
	v4 =	vor.u32 v1, v4;
	v9 =	vld [tilespmem:s31+$0x20];
	vm0 =	veq.s32 v11, v3  }
0x69: {  	v13 =	vld [tilespmem:s31+$0xFFFFFFF0];
	v15 =	vshrl.u32 v8, $0xA;
	v16 =	vand.u32 $0x1FFFFF, v16;
	v12 =	vand.u32 $0x3FFF, v4  }
0x6a: {  	v15 =	vand.u32 $0x1FFFFF, v15;
	v4 =	vshll.u32 v7, $0x4;
	v7 =	vshll.u32 v6, $0x4  }
0x6b: {  	v6 =	vshll.u32 v8, $0x4;
	v11 =	vand.u32 $0x1FFFFF, v14;
	v4 =	vor.u32 v1, v4  }
0x6c: {  	v7 =	vor.u32 v1, v7;
	v6 =	vor.u32 v1, v6;
	v4 =	vand.u32 $0x3FFF, v4  }
0x6d: {  	s22 =	simm.s32 $0x0;
	s23 =	simm.s32 $0x80C0;
	v8 =	vld [tilespmem:s31+$0x10];
	v7 =	vand.u32 $0x3FFF, v7;
	v6 =	vand.u32 $0x3FFF, v6;
	v14 =	vshrl.u32 v9, $0xA  }
.LBB2_7:
0x6e: {  	s22 =	sadd.s32 $0x8, s22;
	[tilespmem:v12+s15+$0x0] =	vst.idx.add.s32.msk vm0, v2;
	vm0 =	veq.s32 v16, v3;
	v12 =	vshrl.u32 v13, $0xA;
	v9 =	vshll.u32 v9, $0x4  }
0x6f: {  	v13 =	vshll.u32 v13, $0x4;
	v16 =	vld [tilespmem:s23+$0xFFFFFFD0];
	p1 =	slt.u32 s22, $0x7F8;
	v17 =	vor.u32 v1, v9;
	v9 =	vand.u32 $0x1FFFFF, v10  }
0x70: {  	vm3 =	veq.s32 v15, v3;
	v5 =	vshll.u32 v5, $0x4;
	v10 =	vor.u32 v1, v13;
	v18 =	vld [tilespmem:s23+$0xFFFFFFE0]  }
0x71: {  	v12 =	vand.u32 $0x1FFFFF, v12;
	vm2 =	veq.s32 v9, v3;
	v9 =	vor.u32 v1, v5;
	v15 =	vld [tilespmem:s23+$0x0]  }
0x72: {  	v14 =	vand.u32 $0x1FFFFF, v14;
	v13 =	vshll.u32 v8, $0x4;
	v19 =	vand.u32 $0x3FFF, v9;
	v5 =	vld [tilespmem:s23+$0x30]  }
0x73: {  	vm5 =	veq.s32 v14, v3;
	vm1 =	veq.s32 v12, v3;
	v12 =	vor.u32 v1, v13;
	v20 =	vld [tilespmem:s23+$0xFFFFFFC0]  }
0x74: {  	vm4 =	veq.s32 v11, v3;
	v8 =	vshrl.u32 v8, $0xA;
	v11 =	vand.u32 $0x3FFF, v17;
	v9 =	vld [tilespmem:s23+$0x20]  }
0x75: {  	v17 =	vand.u32 $0x3FFF, v10;
	v10 =	vand.u32 $0x1FFFFF, v8;
	v14 =	vand.u32 $0x3FFF, v12;
	v13 =	vld [tilespmem:s23+$0xFFFFFFF0]  }
0x76: {  	vm6 =	veq.s32 v10, v3;
	v12 =	vshrl.u32 v16, $0xA;
	v16 =	vshll.u32 v16, $0x4;
	v8 =	vld [tilespmem:s23+$0x10]  }
0x77: {  	v12 =	vand.u32 $0x1FFFFF, v12;
	v16 =	vor.u32 v1, v16;
	v10 =	vshrl.u32 v5, $0xA;
	[tilespmem:v7+s15+$0x0] =	vst.idx.add.s32.msk vm0, v2  }
0x78: {  	vm0 =	veq.s32 v12, v3;
	v12 =	vand.u32 $0x3FFF, v16;
	v7 =	vshrl.u32 v20, $0xA;
	[tilespmem:v6+s15+$0x0] =	vst.idx.add.s32.msk vm3, v2  }
.Ltmp4:
0x79: {  	v16 =	vshll.u32 v18, $0x4;
	v6 =	vshll.u32 v20, $0x4;
	v20 =	vshrl.u32 v15, $0xA;
	[tilespmem:v11+s15+$0x0] =	vst.idx.add.s32.msk vm5, v2;
	(pc) =	sbr.rel @p1 .LBB2_7-.Ltmp4, $4  }
0x7a: {  	v18 =	vshrl.u32 v18, $0xA;
	v6 =	vor.u32 v1, v6;
	v11 =	vshll.u32 v15, $0x4;
	[tilespmem:v19+s15+$0x0] =	vst.idx.add.s32.msk vm2, v2  }
0x7b: {  	v15 =	vor.u32 v1, v16;
	v16 =	vor.u32 v1, v11;
	[tilespmem:v4+s15+$0x0] =	vst.idx.add.s32.msk vm4, v2;
	v4 =	vand.u32 $0x3FFF, v6  }
0x7c: {  	v11 =	vand.u32 $0x1FFFFF, v7;
	v7 =	vand.u32 $0x3FFF, v15;
	v6 =	vand.u32 $0x3FFF, v16;
	[tilespmem:v14+s15+$0x0] =	vst.idx.add.s32.msk vm6, v2  }
0x7d: {  	s23 =	sadd.s32 $0x80, s23;
	v15 =	vand.u32 $0x1FFFFF, v20;
	v16 =	vand.u32 $0x1FFFFF, v18;
	v14 =	vshrl.u32 v9, $0xA;
	[tilespmem:v17+s15+$0x0] =	vst.idx.add.s32.msk vm1, v2  }
0x7e: {  	vm1 =	veq.s32 v16, v3;
	v57 =	vshrl.u32 v13, $0xA;
	v9 =	vshll.u32 v9, $0x4  }
0x7f: {  	v58 =	vshll.u32 v13, $0x4;
	v10 =	vand.u32 $0x1FFFFF, v10;
	vm2 =	veq.s32 v15, v3  }
0x80: {  	v5 =	vshll.u32 v5, $0x4;
	v14 =	vand.u32 $0x1FFFFF, v14;
	v59 =	vshll.u32 v8, $0x4  }
0x81: {  	v60 =	vshrl.u32 v8, $0xA;
	vm5 =	veq.s32 v11, v3;
	v9 =	vor.u32 v1, v9  }
0x82: {  	vm3 =	veq.s32 v10, v3;
	v5 =	vor.u32 v1, v5;
	vm4 =	veq.s32 v14, v3  }
0x83: {  	v8 =	vand.u32 $0x1FFFFF, v60;
	v61 =	vand.u32 $0x1FFFFF, v57;
	v9 =	vand.u32 $0x3FFF, v9  }
0x84: {  	[tilespmem:v12+s15+$0x0] =	vst.idx.add.s32.msk vm0, v2;
	v10 =	vor.u32 v1, v59;
	v5 =	vand.u32 $0x3FFF, v5;
	vm15 =	veq.s32 v8, v3  }
0x85: {  	v62 =	vor.u32 v1, v58;
	vm6 =	veq.s32 v61, v3;
	v10 =	vand.u32 $0x3FFF, v10;
	[tilespmem:v7+s15+$0x0] =	vst.idx.add.s32.msk vm1, v2  }
0x86: {  	v63 =	vand.u32 $0x3FFF, v62;
	[tilespmem:v6+s15+$0x0] =	vst.idx.add.s32.msk vm2, v2  }
.Ltmp5:
0x87: {  	[tilespmem:v4+s15+$0x0] =	vst.idx.add.s32.msk vm5, v2;
	(pc) =	sbr.rel @p0 .LBB2_10-.Ltmp5, $4  }
0x88: {  	[tilespmem:v9+s15+$0x0] =	vst.idx.add.s32.msk vm4, v2  }
0x89: {  	[tilespmem:v5+s15+$0x0] =	vst.idx.add.s32.msk vm3, v2  }
0x8a: {  	[tilespmem:v10+s15+$0x0] =	vst.idx.add.s32.msk vm15, v2  }
0x8b: {  	[tilespmem:v63+s15+$0x0] =	vst.idx.add.s32.msk vm6, v2  }
.Ltmp6:
0x8c: {  	(pc) =	sbr.rel .LBB2_4-.Ltmp6, $4  }
0x8d: {  	s21 =	sadd.s32 s21, s8  }
0x8e: {  	s21 =	sshrl.u32 s21, $0x3  }
0x8f: {  	s20 =	sadd.s32 $0x1, s20;
	s21 =	sadd.s32 s1, s21  }
0x90: {  	[tilespmem:s13], [sflag:$0x2] =	stream.linear.gather [hbm4b:s21+s3], $0x8000, $0x38;
	[tilespmem:$0x14080] =	vst v63  }
.LBB2_11:
0x91: {  	_ =	sfence.sel $0x180000  }
0x92: {  	[bflag:$0x0] =	sbarrier.arrive $0xFFFF  }
0x93: {  	p0 =	sne.s32 s2, $0x0;
	_ =	strace $0x9000004D  }
0x94: {  	s0 =	sadd.s32 @!p0 $0x100000, s0;
	[bflag:$0x2] =	sbarrier.arrive $0xFFFF  }
0x95: {  	[sflag:s0] =	ssyncadd.tile.s32 @!p0 $0x1;
	_ =	shalt  }
.Lfunc_end2:
_tile_overlayer_lowered:
.L_overlay_start_2:
0x96: {  	(tag) =	ssettag $0x2  }
0x97: {  	s0 =	rddreg [dreg:$0x0];
	s2 =	stileid.u32  }
0x98: {  	s1 =	rddreg [dreg:$0x1];
	p0 =	sne.s32 s2, $0x0  }
0x99: {  	s3 =	rddreg [dreg:$0x2];
	[bflag:$0x3] =	sbarrier.arrive $0xFFFF;
	s2 =	simm.s32 @!p0 $0x1C03  }
0x9a: {  	[timem:s3], [sflag:s2] =	dma.local @!p0 [hbm:s0], s1  }
0x9b: {  	s0 =	simm.s32 @!p0 $0x3  }
0x9c: {  	_ =	swait.ge @!p0 [sflag:s0], s1  }
0x9d: {  	s1 =	ssub.s32 @!p0 $0x0, s1;
	[sflag:s0] =	ssyncset.done @!p0 $0x0  }
0x9e: {  	[sflag:s0] =	ssyncadd.s32 @!p0 s1  }
0x9f: {  	[bflag:$0x3] =	sbarrier.arrive $0xFFFF  }
0xa0: {  	_ =	shalt  }

// kernel: kernel.15.cloned.1.call-start
scs
__scs_entry_jumppad:
0x0: {  	(pc) =	sbr.rel $0x88, $3  }
0x1: {  	(tag) =	ssettag $0x0;
	lr =	simm.s32 $0x1  }
0x2: {  	[smem:$0x3F9F] =	sst lr;
	_ =	strace $0xD0000000  }
0x3: {  	_ = 	snop  }
0x4: {  	_ = 	snop  }
0x5: {  	_ = 	snop  }
0x6: {  	_ = 	snop  }
0x7: {  	_ = 	snop  }
__scs_overlays_trampoline_lowered:
0x8: {  	[smem:$0x3FAE] =	sst s0  }
0x9: {  	[smem:$0x3FAF] =	sst s1  }
0xa: {  	[smem:$0x3FB0] =	sst s2  }
0xb: {  	[smem:$0x3FB1] =	sst s3  }
0xc: {  	[smem:$0x3FB2] =	sst s4  }
0xd: {  	[smem:$0x3FB3] =	sst s5  }
0xe: {  	[smem:$0x3FB4] =	sst s6  }
0xf: {  	[smem:$0x3FB5] =	sst s7  }
0x10: {  	[smem:$0x3FB6] =	sst s8  }
0x11: {  	[smem:$0x3FB7] =	sst s9;
	s0 =	simm.s32 @!p0 $0x0  }
0x12: {  	s1 =	sld [smem:$0x3F9D];
	s0 =	simm.s32 @p0 $0x1  }
0x13: {  	[smem:$0x3FB8] =	sst s0;
	s0 =	simm.s32 @!p1 $0x0  }
0x14: {  	s2 =	sld [smem:$0x3F9C];
	s0 =	simm.s32 @p1 $0x1  }
0x15: {  	[smem:$0x3FB9] =	sst s0;
	s0 =	simm.s32 @!p2 $0x0  }
0x16: {  	s3 =	sld [smem:$0x3FDB];
	s0 =	simm.s32 @p2 $0x1  }
0x17: {  	s4 =	simm.s32 $0x1BF5;
	[smem:$0x3FBB] =	sst s0  }
0x18: {  	s0 =	sld [smem:$0x3F9E];
	_ =	swait.ge [sflag:s4], $0x0  }
0x19: {  	s7 =	sld [smem:$0x3F9F]  }
0x1a: {  	s8 =	sadd.s32 $0xFFFFE003, lr  }
0x1b: {  	s9 =	sadd.s32 $0xFFFFFEF7, lr;
	s5 =	simm.s32 $0xFFFFFFFF;
	p2 =	slt.u32 s8, $0xFFFFF086  }
0x1c: {  	p1 =	slt.u32 s9, $0xF7A;
	s5 =	simm.s32 @!p2 $0x0  }
0x1d: {  	s5 =	simm.s32 @p1 $0x1;
	p0 =	seq.s32 s7, s2  }
0x1e: {  	s7 =	smul.u32 @!p0 $0xF7A, s2;
	p2 =	seq.s32 @!p0 s5, $0x0  }
0x1f: {  	s9 =	smul.u32 $0xF7A, s1;
	s8 =	simm.s32 @!p0 $0x1BF5;
	p2 =	por !p2, p0  }
0x20: {  	[sflag:s8] =	ssyncset.s32 @!p0 $0xFFFFF086;
	s6 =	sadd.s32 @!p0 s3, s7;
	s7 =	simm.s32 @!p0 $0x108  }
0x21: {  	s3 =	sadd.s32 s3, s9;
	s6 =	sadd.s32 @!p0 $0x88, s6;
	s7 =	simm.s32 @p2 $0x1082  }
0x22: {  	[simem:s7], [sflag:s8] =	dma.local @!p0 [hbm:s6], $0xF7A  }
0x23: {  	s9 =	sor.u32 $0xD0000000, s2;
	s6 =	simm.s32 $0x108;
	_ =	swait.ge @!p0 [sflag:s8], $0x0  }
0x24: {  	s3 =	sadd.s32 $0x88, s3;
	s6 =	simm.s32 @!p1 $0x1082;
	[sflag:s4] =	ssyncset.s32 $0xFFFFF086  }
0x25: {  	[simem:s6], [sflag:s4] =	dma.local [hbm:s3], $0xF7A  }
0x26: {  	[smem:$0x3F9F] =	sst s1;
	(tag) =	ssettag s2;
	_ =	strace s9  }
0x27: {  	s1 =	sld [smem:$0x3FAF]  }
0x28: {  	s2 =	sld [smem:$0x3FB0]  }
0x29: {  	s4 =	sld [smem:$0x3FB2]  }
0x2a: {  	p0 =	seq.s32 s5, $0x0;
	s5 =	sld [smem:$0x3FB3]  }
0x2b: {  	s6 =	sld [smem:$0x3FB4]  }
0x2c: {  	s7 =	sld [smem:$0x3FB5]  }
0x2d: {  	s3 =	simm.s32 $0x108;
	s8 =	sld [smem:$0x3FB6]  }
0x2e: {  	s3 =	simm.s32 @!p0 $0x1082;
	s9 =	sld [smem:$0x3FB7]  }
0x2f: {  	lr =	sadd.s32 s0, s3;
	s0 =	sld [smem:$0x3FAE]  }
0x30: {  	s3 =	sld [smem:$0x3FB1]  }
0x31: {  	[smem:$0x3FBA] =	sst s10  }
0x32: {  	s10 =	sld [smem:$0x3FB8];
	_ =	sdelay $0x3  }
0x33: {  	p0 =	seq.s32 s10, $0x1;
	s10 =	sld [smem:$0x3FBA];
	_ =	sdelay $0x3  }
0x34: {  	[smem:$0x3FBA] =	sst s10  }
0x35: {  	s10 =	sld [smem:$0x3FB9];
	_ =	sdelay $0x3  }
0x36: {  	p1 =	seq.s32 s10, $0x1;
	s10 =	sld [smem:$0x3FBA];
	_ =	sdelay $0x3  }
0x37: {  	[smem:$0x3FBA] =	sst s10  }
0x38: {  	s10 =	sld [smem:$0x3FBB]  }
0x39: {  	_ = 	snop;
	(pc) =	sbr.ind lr, $3  }
0x3a: {  	_ = 	snop  }
0x3b: {  	_ = 	snop  }
0x3c: {  	p2 =	seq.s32 s10, $0x1;
	s10 =	sld [smem:$0x3FBA]  }
0x3d: {  	_ =	shalt  }
0x3e: {  	_ =	shalt  }
0x3f: {  	_ =	shalt  }
0x40: {  	_ =	shalt  }
0x41: {  	_ =	shalt  }
0x42: {  	_ =	shalt  }
0x43: {  	_ =	shalt  }
0x44: {  	_ =	shalt  }
0x45: {  	_ =	shalt  }
0x46: {  	_ =	shalt  }
0x47: {  	_ =	shalt  }
0x48: {  	_ =	shalt  }
0x49: {  	_ =	shalt  }
0x4a: {  	_ =	shalt  }
0x4b: {  	_ =	shalt  }
0x4c: {  	_ =	shalt  }
0x4d: {  	_ =	shalt  }
0x4e: {  	_ =	shalt  }
0x4f: {  	_ =	shalt  }
0x50: {  	_ =	shalt  }
0x51: {  	_ =	shalt  }
0x52: {  	_ =	shalt  }
0x53: {  	_ =	shalt  }
0x54: {  	_ =	shalt  }
0x55: {  	_ =	shalt  }
0x56: {  	_ =	shalt  }
0x57: {  	_ =	shalt  }
0x58: {  	_ =	shalt  }
0x59: {  	_ =	shalt  }
0x5a: {  	_ =	shalt  }
0x5b: {  	_ =	shalt  }
0x5c: {  	_ =	shalt  }
0x5d: {  	_ =	shalt  }
0x5e: {  	_ =	shalt  }
0x5f: {  	_ =	shalt  }
0x60: {  	_ =	shalt  }
0x61: {  	_ =	shalt  }
0x62: {  	_ =	shalt  }
0x63: {  	_ =	shalt  }
0x64: {  	_ =	shalt  }
0x65: {  	_ =	shalt  }
0x66: {  	_ =	shalt  }
0x67: {  	_ =	shalt  }
0x68: {  	_ =	shalt  }
0x69: {  	_ =	shalt  }
0x6a: {  	_ =	shalt  }
0x6b: {  	_ =	shalt  }
0x6c: {  	_ =	shalt  }
0x6d: {  	_ =	shalt  }
0x6e: {  	_ =	shalt  }
0x6f: {  	_ =	shalt  }
0x70: {  	_ =	shalt  }
0x71: {  	_ =	shalt  }
0x72: {  	_ =	shalt  }
0x73: {  	_ =	shalt  }
0x74: {  	_ =	shalt  }
0x75: {  	_ =	shalt  }
0x76: {  	_ =	shalt  }
0x77: {  	_ =	shalt  }
0x78: {  	_ =	shalt  }
0x79: {  	_ =	shalt  }
0x7a: {  	_ =	shalt  }
0x7b: {  	_ =	shalt  }
0x7c: {  	_ =	shalt  }
0x7d: {  	_ =	shalt  }
0x7e: {  	_ =	shalt  }
0x7f: {  	_ =	shalt  }
0x80: {  	_ =	shalt  }
0x81: {  	_ =	shalt  }
0x82: {  	_ =	shalt  }
0x83: {  	_ =	shalt  }
0x84: {  	_ =	shalt  }
0x85: {  	_ =	shalt  }
0x86: {  	_ =	shalt  }
0x87: {  	_ =	shalt  }
.Lfunc_end0:
.L_simem_size_0:
called_computation.3_lowered:
.L_overlay_start_0:
0x88: {  	s2 =	sld [smem:$0x3FD9]  }
0x89: {  	s3 =	sld [smem:$0x3FFE];
	_ =	sdelay $0x1  }
0x8a: {  	s1 =	srdreg.scid  }
0x8b: {  	s0 =	sand.u32 $0x1, s1  }
0x8c: {  	s14 =	sshll.u32 s0, $0xA;
	s2 =	sadd.s32 s3, s2  }
0x8d: {  	s2 =	sadd.s32 s2, s14  }
0x8e: {  	[smem:$0x3FC6] =	sst s2  }
0x8f: {  	_ = 	snop  }
0x90: {  	s2 =	sld [smem:$0x3FD0];
	_ =	sdelay $0x2  }
0x91: {  	s15 =	simm.s32 $0xA;
	s4 =	simm.s32 $0x10  }
0x92: {  	[smem:s4], [sflag:s15] =	dma.local [hbm:s2], $0x1  }
0x93: {  	_ =	swait.eq [sflag:s15], $0x1  }
0x94: {  	[sflag:s15] =	ssyncset.done $0x0  }
0x95: {  	[sflag:s15] =	ssyncadd.s32 $0xFFFFFFFF  }
0x96: {  	s16 =	sld [smem:$0x10];
	(tm) =	ssettm $0x1  }
0x97: {  	s17 =	sld [smem:$0x3FFB];
	_ =	sdelay $0x3  }
0x98: {  	_ =	strace s17  }
0x99: {  	s3 =	sld [smem:$0x3FFC];
	_ =	sdelay $0x3  }
0x9a: {  	_ =	strace s3  }
0x9b: {  	s3 =	sld [smem:$0x3FFD];
	_ =	sdelay $0x3  }
0x9c: {  	_ =	strace s3  }
0x9d: {  	_ =	strace $0x8FFFFFFF  }
0x9e: {  	s18 =	sld [smem:$0x3FDB];
	_ =	sdelay $0x1  }
0x9f: {  	s19 =	simm.s32 $_scs_section_size  }
0xa0: {  	s5 =	simm.s32 $_size__tile_overlayer_lowered;
	s6 =	simm.s32 $_tile_overlayer_lowered  }
0xa1: {  	s22 =	simm.s32 $0x1BFF;
	s21 =	sshll.u32 s6, $0x1;
	s3 =	sadd.s32 s19, s18  }
0xa2: {  	s7 =	simm.s32 $0x0;
	s20 =	sshll.u32 s5, $0x1;
	s5 =	sadd.s32 s21, s3  }
0xa3: {  	[timem:s7], [sflag:s22] =	dma.local [hbm:s5], s20  }
0xa4: {  	_ =	swait.ge [sflag:s22], s20  }
0xa5: {  	s4 =	ssub.s32 $0x0, s20;
	[sflag:s22] =	ssyncset.done $0x0  }
0xa6: {  	[sflag:s22] =	ssyncadd.s32 s4;
	_ =	sdelay $0x1  }
0xa7: {  	s23 =	simm.s32 $0x1B8B  }
0xa8: {  	_ =	swait.ge [sflag:s23], $0x1  }
0xa9: {  	[sflag:s23] =	ssyncset.done $0x0  }
0xaa: {  	s25 =	simm.s32 $0x1B8E;
	s24 =	sld [smem:$0x3FFE];
	[sflag:s23] =	ssyncadd.s32 $0xFFFFFFFF  }
0xab: {  	s26 =	simm.s32 $execute0_lowered;
	[smem:$0x3FD2] =	sst s25  }
0xac: {  	s5 =	sshll.u32 s26, $0x1;
	_ =	strace $0x8000004F;
	[dreg:$0x1] =	wrdreg $0xFFFFFFFF  }
0xad: {  	s28 =	simm.s32 $_size_execute0_lowered;
	s3 =	sadd.s32 s3, s5;
	[dreg:$0x0] =	wrdreg $0x0  }
0xae: {  	s5 =	sshll.u32 s28, $0x1;
	[dreg:$0x2] =	wrdreg s3  }
0xaf: {  	[dreg:$0x3] =	wrdreg s5  }
0xb0: {  	[dreg:$0x4] =	wrdreg $0xC0  }
0xb1: {  	_ =	task [dreg:s7], $0x5FFFF  }
0xb2: {  	[dreg:$0x1] =	wrdreg $0xFFFFFFFF  }
0xb3: {  	[dreg:$0x0] =	wrdreg $0x60  }
0xb4: {  	[dreg:$0x2] =	wrdreg s24  }
0xb5: {  	[dreg:$0x3] =	wrdreg s16  }
0xb6: {  	[dreg:$0x4] =	wrdreg $0x9  }
0xb7: {  	_ =	task.clear_ibuf [dreg:s7], $0x5FFFF;
	_ =	strace $0x9000004F  }
0xb8: {  	s29 =	simm.s32 $0x9;
	_ =	strace $0x80000051  }
0xb9: {  	_ =	swait.ge [sflag:s29], $0x1  }
0xba: {  	[sflag:s29] =	ssyncadd.s32 $0xFFFFFFFF  }
0xbb: {  	_ =	strace $0x90000051  }
0xbc: {  	_ =	sfence  }
0xbd: {  	s30 =	sld [smem:$0x0];
	_ =	sdelay $0x2  }
0xbe: {  	s31 =	sshll.u32 s1, $0xD;
	s1 =	sshrl.u32 s1, $0x2  }
0xbf: {  	s3 =	sand.u32 $0x4000, s31;
	s1 =	sadd.s32 s1, s30  }
0xc0: {  	s0 =	sor.u32 s3, s0;
	s1 =	sshll.u32 s1, $0x11  }
0xc1: {  	s0 =	sor.u32 s1, s0  }
0xc2: {  	s0 =	sadd.s32 $0x8F2B, s0  }
0xc3: {  	[sflag:s0] =	ssyncadd.remote.s32 $0x1  }
0xc4: {  	_ =	sfence.sel $0xFFFF  }
0xc5: {  	[dreg:$0x0] =	wrdreg $0xFFFFFFFF;
	(pc) =	sbr.abs _section_cstart, $3  }
0xc6: {  	[dreg:$0x1] =	wrdreg $0xFFFFFFFF  }
0xc7: {  	_ =	task.clear_ibuf [dreg:s7], $0x2FFFF;
	_ =	strace $0x9FFFFFFF  }
0xc8: {  	(tm) =	ssettm $0x7FFFFFFF  }
0xc9: {  	_ =	shalt  }
tec
execute0_lowered:
.L_overlay_start_1:
0x0: {  	(tag) =	ssettag $0x1  }
0x1: {  	s2 =	rddreg [dreg:$0x0]  }
0x2: {  	s3 =	rddreg [dreg:$0x1];
	s4 =	srdreg.scid  }
0x3: {  	s0 =	rddreg [dreg:$0x2];
	s1 =	stileid.u32;
	s12 =	simm.s32 $0x10000  }
0x4: {  	s13 =	simm.s32 $0x5;
	s14 =	simm.s32 $0x4000;
	s15 =	simm.s32 $0x1  }
0x5: {  	s16 =	simm.s32 $0x8000;
	s17 =	simm.s32 $0x2;
	s18 =	simm.s32 $0x4  }
0x6: {  	s19 =	simm.s32 $0xC000;
	s20 =	simm.s32 $0x3;
	s21 =	simm.s32 $0x0  }
0x7: {  	s6 =	sand.u32 $0x1, s4;
	s4 =	simm.s32 $0x0;
	s5 =	sshll.u32 s1, $0x14  }
.Ltmp0:
0x8: {  	s7 =	sshll.u32 s6, $0x13;
	[smem:$0x7FF] =	sst s4;
	(pc) =	sbr.rel .LBB2_1-.Ltmp0, $4  }
0x9: {  	s8 =	ssub.s32 $0x2, s6;
	s6 =	sadd.s32 $0x200000, s2;
	s5 =	sor.u32 s7, s5  }
0xa: {  	_ =	strace $0x80000050;
	s9 =	sshrl.u32 s8, $0x1;
	s7 =	sshrl.u32 s5, $0x3  }
0xb: {  	s11 =	ssub.s32 s8, s9;
	s9 =	sor.u32 $0x8000, s5;
	s7 =	sadd.s32 s2, s7  }
0xc: {  	v0 =	vimm.f32 $6.692850960e-03;
	s10 =	sor.u32 $0xC000, s5;
	s11 =	smax.u32 s11, $0x1;
	s8 =	sadd.s32 $0x800, s7  }
.LBB2_12:
0xd: {  	s21 =	sadd.s32 $0x1, s21  }
0xe: {  	_ =	swait.ge [sflag:s20], $0x4000;
	p0 =	sne.s32 s21, s11  }
.Ltmp1:
0xf: {  	[sflag:s20] =	ssyncset.done $0x0;
	(pc) =	sbr.rel @!p0 .LBB2_13-.Ltmp1, $4  }
0x10: {  	[sflag:s20] =	ssyncadd.s32 $0xFFFFC000  }
0x11: {  	_ =	swait.ge [sflag:s18], $0x4000  }
0x12: {  	[sflag:s18] =	ssyncset.done $0x0  }
0x13: {  	[sflag:s18] =	ssyncadd.s32 $0xFFFFC000  }
.LBB2_1:
0x14: {  	[tilespmem:s12], [sflag:$0x5] =	stream.linear.gather [hbm4b:s6+s4], $0x80, $0x38;
	[tilespmem:$0x10080] =	vst v63  }
0x15: {  	_ =	swait.ge [sflag:s13], $0x80  }
0x16: {  	[sflag:s13] =	ssyncset.done $0x0  }
0x17: {  	[sflag:s13] =	ssyncadd.s32 $0xFFFFFF80  }
0x18: {  	v1 =	vld [tilespmem:$0x10000];
	_ =	sdelay $0x1  }
0x19: {  	[tilespmem:s4], [sflag:$0x1] =	stream.linear.gather [hbm4b:s7+s4], $0x4000, $0x38;
	[tilespmem:$0x10080] =	vst v63  }
0x1a: {  	s22 =	simm.s32 $0x0  }
0x1b: {  	[tilespmem:s14], [sflag:$0x2] =	stream.linear.gather [hbm4b:s8+s4], $0x4000, $0x38;
	[tilespmem:$0x10080] =	vst v63  }
.LBB2_2:
0x1c: {  	_ =	swait.ge [sflag:s15], $0x4000  }
0x1d: {  	p0 =	seq.s32 s22, $0x0;
	[sflag:s15] =	ssyncset.done $0x0  }
0x1e: {  	s23 =	simm.s32 @!p0 $0x3;
	[sflag:s15] =	ssyncadd.s32 $0xFFFFC000  }
0x1f: {  	_ =	swait.ge @!p0 [sflag:s23], $0x4000  }
0x20: {  	[sflag:s23] =	ssyncset.done @!p0 $0x0  }
0x21: {  	s31 =	simm.s32 $0x40;
	[sflag:s23] =	ssyncadd.s32 @!p0 $0xFFFFC000  }
0x22: {  	v2 =	vld [tilespmem:s31+$0x30]  }
0x23: {  	v3 =	vld [tilespmem:s31+$0xFFFFFFD0]  }
0x24: {  	v12 =	vld [tilespmem:s31+$0xFFFFFFC0]  }
0x25: {  	v4 =	vld [tilespmem:s31+$0xFFFFFFE0]  }
0x26: {  	v8 =	vld [tilespmem:s31+$0xFFFFFFF0]  }
0x27: {  	v9 =	vld [tilespmem:s31+$0x0]  }
0x28: {  	v5 =	vand.u32 $0x7FFFFFFF, v2;
	v6 =	vand.u32 $0x7FFFFFFF, v3  }
0x29: {  	v10 =	vld [tilespmem:s31+$0x10];
	v16 =	vand.u32 $0x7FFFFFFF, v12;
	vm0 =	vlt.s32 v1, v5;
	vm1 =	vlt.s32 v1, v6  }
0x2a: {  	v11 =	vld [tilespmem:s31+$0x20];
	v5 =	vand.u32 $0x7FFFFFFF, v4;
	vm3 =	vlt.s32 v1, v16;
	v6 =	vsel vm0, $0x3F7E4961, v0  }
0x2b: {  	s28 =	simm.s32 $0xC0;
	vm0 =	vlt.s32 v1, v5;
	v5 =	vand.u32 $0x7FFFFFFF, v8;
	v18 =	vsel vm3, $0x3F7E4961, v0  }
0x2c: {  	v14 =	vld [tilespmem:s28+$0x30];
	v7 =	vmul.f32 v6, v2;
	v6 =	vsel vm1, $0x3F7E4961, v0;
	v2 =	vand.u32 $0x7FFFFFFF, v9  }
0x2d: {  	vm1 =	vlt.s32 v1, v5;
	v13 =	vsel vm0, $0x3F7E4961, v0;
	vm0 =	vlt.s32 v1, v2;
	v2 =	vld [tilespmem:s28+$0xFFFFFFD0]  }
0x2e: {  	v5 =	vand.u32 $0x7FFFFFFF, v10;
	v12 =	vmul.f32 v18, v12;
	v15 =	vsel vm1, $0x3F7E4961, v0  }
0x2f: {  	s24 =	simm.s32 $0x8040;
	vm1 =	vlt.s32 v1, v5;
	v5 =	vand.u32 $0x7FFFFFFF, v11;
	v3 =	vmul.f32 v6, v3;
	v6 =	vld [tilespmem:s28+$0xFFFFFFE0]  }
0x30: {  	v4 =	vmul.f32 v13, v4;
	vm2 =	vlt.s32 v1, v5;
	v63 =	vsel vm0, $0x3F7E4961, v0;
	[tilespmem:s24+$0x30] =	vst v7;
	v5 =	vld [tilespmem:s28+$0xFFFFFFF0]  }
0x31: {  	v17 =	vsel vm1, $0x3F7E4961, v0;
	v7 =	vld [tilespmem:s28+$0x0];
	v8 =	vmul.f32 v15, v8;
	v15 =	vand.u32 $0x7FFFFFFF, v14;
	[tilespmem:s24+$0xFFFFFFD0] =	vst v3  }
0x32: {  	v13 =	vsel vm2, $0x3F7E4961, v0;
	v3 =	vld [tilespmem:s28+$0x10];
	[tilespmem:s24+$0xFFFFFFE0] =	vst v4;
	v16 =	vmul.f32 v63, v9;
	v4 =	vand.u32 $0x7FFFFFFF, v2  }
0x33: {  	[tilespmem:s24+$0xFFFFFFC0] =	vst v12;
	v10 =	vmul.f32 v17, v10;
	vm0 =	vlt.s32 v1, v15;
	vm1 =	vlt.s32 v1, v4;
	v4 =	vld [tilespmem:s28+$0x20]  }
0x34: {  	v9 =	vmul.f32 v13, v11;
	v12 =	vsel vm0, $0x3F7E4961, v0;
	[tilespmem:s24+$0xFFFFFFF0] =	vst v8;
	v8 =	vld [tilespmem:s28+$0xFFFFFFC0];
	v11 =	vand.u32 $0x7FFFFFFF, v6  }
0x35: {  	v14 =	vmul.f32 v12, v14;
	[tilespmem:s24+$0x0] =	vst v16;
	vm0 =	vlt.s32 v1, v11;
	v13 =	vand.u32 $0x7FFFFFFF, v5  }
0x36: {  	s25 =	simm.s32 $0x80C0;
	[tilespmem:s24+$0x10] =	vst v10;
	v12 =	vand.u32 $0x7FFFFFFF, v7;
	v11 =	vsel vm1, $0x3F7E4961, v0;
	v10 =	vsel vm0, $0x3F7E4961, v0  }
0x37: {  	s26 =	simm.s32 $0x8;
	s23 =	sshll.u32 s22, $0xF;
	[tilespmem:s25+$0x30] =	vst v14;
	s28 =	simm.s32 $0x140;
	vm1 =	vlt.s32 v1, v13;
	vm0 =	vlt.s32 v1, v12;
	v12 =	vand.u32 $0x7FFFFFFF, v3  }
.LBB2_3:
0x38: {  	v13 =	vld [tilespmem:s28+$0x30];
	s26 =	sadd.s32 $0x8, s26;
	v14 =	vsel vm1, $0x3F7E4961, v0;
	vm1 =	vlt.s32 v1, v12;
	v12 =	vand.u32 $0x7FFFFFFF, v4;
	[tilespmem:s24+$0x20] =	vst v9;
	s24 =	smov.u32 s25  }
0x39: {  	v11 =	vmul.f32 v11, v2;
	p1 =	slt.u32 s26, $0x3F8;
	v9 =	vand.u32 $0x7FFFFFFF, v8;
	v2 =	vld [tilespmem:s28+$0xFFFFFFD0];
	vm2 =	vlt.s32 v1, v12  }
0x3a: {  	v15 =	vsel vm1, $0x3F7E4961, v0;
	v12 =	vld [tilespmem:s28+$0xFFFFFFE0];
	vm3 =	vlt.s32 v1, v9;
	v9 =	vsel vm0, $0x3F7E4961, v0  }
0x3b: {  	v6 =	vmul.f32 v10, v6;
	v10 =	vsel vm2, $0x3F7E4961, v0;
	v16 =	vld [tilespmem:s28+$0xFFFFFFF0];
	v17 =	vsel vm3, $0x3F7E4961, v0;
	[tilespmem:s25+$0xFFFFFFD0] =	vst v11  }
0x3c: {  	v5 =	vmul.f32 v14, v5;
	v18 =	vld [tilespmem:s28+$0x0];
	v8 =	vmul.f32 v17, v8  }
0x3d: {  	v14 =	vmul.f32 v15, v3;
	v7 =	vmul.f32 v9, v7;
	v11 =	vand.u32 $0x7FFFFFFF, v13;
	[tilespmem:s25+$0xFFFFFFE0] =	vst v6;
	v3 =	vld [tilespmem:s28+$0x10]  }
.Ltmp2:
0x3e: {  	v9 =	vmul.f32 v10, v4;
	v15 =	vand.u32 $0x7FFFFFFF, v2;
	vm0 =	vlt.s32 v1, v11;
	[tilespmem:s25+$0xFFFFFFC0] =	vst v8;
	v4 =	vld [tilespmem:s28+$0x20];
	(pc) =	sbr.rel @p1 .LBB2_3-.Ltmp2, $4  }
0x3f: {  	v8 =	vld [tilespmem:s28+$0xFFFFFFC0];
	vm1 =	vlt.s32 v1, v15;
	v10 =	vand.u32 $0x7FFFFFFF, v12;
	v11 =	vsel vm0, $0x3F7E4961, v0;
	[tilespmem:s25+$0xFFFFFFF0] =	vst v5;
	v6 =	vmovc v12  }
0x40: {  	vm0 =	vlt.s32 v1, v10;
	v10 =	vand.u32 $0x7FFFFFFF, v16;
	v13 =	vmul.f32 v11, v13;
	[tilespmem:s25+$0x0] =	vst v7;
	v5 =	vmovc v16  }
0x41: {  	v11 =	vsel vm1, $0x3F7E4961, v0;
	s25 =	sadd.s32 $0x80, s25;
	vm1 =	vlt.s32 v1, v10;
	v12 =	vand.u32 $0x7FFFFFFF, v18;
	[tilespmem:s24+$0x10] =	vst v14;
	v7 =	vmovc v18  }
0x42: {  	s28 =	sadd.s32 $0x80, s28;
	v10 =	vsel vm0, $0x3F7E4961, v0;
	vm0 =	vlt.s32 v1, v12;
	v12 =	vand.u32 $0x7FFFFFFF, v3;
	[tilespmem:s25+$0x30] =	vst v13  }
0x43: {  	_ = 	snop  }
0x44: {  	v2 =	vmul.f32 v11, v2;
	v13 =	vand.u32 $0x7FFFFFFF, v8  }
0x45: {  	[tilespmem:s24+$0x20] =	vst v9;
	v6 =	vmul.f32 v10, v6;
	v60 =	vsel vm1, $0x3F7E4961, v0;
	vm2 =	vlt.s32 v1, v13  }
0x46: {  	vm14 =	vlt.s32 v1, v12;
	v5 =	vmul.f32 v60, v5;
	[tilespmem:s25+$0xFFFFFFD0] =	vst v2;
	v59 =	vsel vm2, $0x3F7E4961, v0  }
0x47: {  	v61 =	vand.u32 $0x7FFFFFFF, v4;
	v62 =	vsel vm0, $0x3F7E4961, v0;
	[tilespmem:s25+$0xFFFFFFE0] =	vst v6;
	v2 =	vmul.f32 v59, v8  }
0x48: {  	p1 =	sne.s32 s22, $0xF;
	vm15 =	vlt.s32 v1, v61;
	v63 =	vsel vm14, $0x3F7E4961, v0;
	v7 =	vmul.f32 v62, v7;
	[tilespmem:s25+$0xFFFFFFF0] =	vst v5  }
.Ltmp3:
0x49: {  	v3 =	vmul.f32 v63, v3;
	[tilespmem:s25+$0xFFFFFFC0] =	vst v2;
	v2 =	vsel vm15, $0x3F7E4961, v0;
	(pc) =	sbr.rel @p1 .LBB2_6-.Ltmp3, $4  }
0x4a: {  	s30 =	sor.u32 s5, s23;
	[tilespmem:s25+$0x0] =	vst v7;
	v2 =	vmul.f32 v2, v4  }
0x4b: {  	s24 =	sshrl.u32 s30, $0x3;
	[tilespmem:s25+$0x10] =	vst v3  }
0x4c: {  	s31 =	sadd.s32 s3, s24;
	[tilespmem:s25+$0x20] =	vst v2  }
0x4d: {  	[hbm4b:s31+s4] =	stream.linear.scatter [tilespmem:s16], [sflag:$0x3], $0x4000, $0x38;
	[tilespmem:$0x10080] =	vst v63  }
.Ltmp4:
0x4e: {  	(pc) =	sbr.rel .LBB2_7-.Ltmp4, $4  }
0x4f: {  	_ = 	snop  }
0x50: {  	_ =	swait.ge [sflag:s17], $0x4000  }
0x51: {  	[sflag:s17] =	ssyncset.done $0x0  }
0x52: {  	[sflag:s17] =	ssyncadd.s32 $0xFFFFC000  }
.LBB2_6:
0x53: {  	s25 =	sadd.s32 s23, s9  }
0x54: {  	s25 =	sshrl.u32 s25, $0x3  }
.Ltmp5:
0x55: {  	s25 =	sadd.s32 s2, s25;
	(pc) =	sbr.rel @p0 .LBB2_8-.Ltmp5, $4  }
0x56: {  	[tilespmem:s4], [sflag:$0x1] =	stream.linear.gather [hbm4b:s25+s4], $0x4000, $0x38;
	[tilespmem:$0x10080] =	vst v63  }
0x57: {  	_ =	swait.ge [sflag:s17], $0x4000  }
0x58: {  	[sflag:s17] =	ssyncset.done $0x0  }
0x59: {  	[sflag:s17] =	ssyncadd.s32 $0xFFFFC000  }
.LBB2_7:
0x5a: {  	_ =	swait.ge [sflag:s18], $0x4000  }
0x5b: {  	[sflag:s18] =	ssyncset.done $0x0  }
0x5c: {  	[sflag:s18] =	ssyncadd.s32 $0xFFFFC000  }
.LBB2_8:
0x5d: {  	s25 =	simm.s32 $0x4040  }
0x5e: {  	v2 =	vld [tilespmem:s25+$0x30]  }
0x5f: {  	v3 =	vld [tilespmem:s25+$0xFFFFFFD0]  }
0x60: {  	v12 =	vld [tilespmem:s25+$0xFFFFFFC0]  }
0x61: {  	v4 =	vld [tilespmem:s25+$0xFFFFFFE0]  }
0x62: {  	v8 =	vld [tilespmem:s25+$0xFFFFFFF0]  }
0x63: {  	v9 =	vld [tilespmem:s25+$0x0]  }
0x64: {  	v5 =	vand.u32 $0x7FFFFFFF, v2;
	v6 =	vand.u32 $0x7FFFFFFF, v3  }
0x65: {  	v10 =	vld [tilespmem:s25+$0x10];
	v16 =	vand.u32 $0x7FFFFFFF, v12;
	vm0 =	vlt.s32 v1, v5;
	vm1 =	vlt.s32 v1, v6  }
0x66: {  	v11 =	vld [tilespmem:s25+$0x20];
	v5 =	vand.u32 $0x7FFFFFFF, v4;
	vm3 =	vlt.s32 v1, v16;
	v6 =	vsel vm0, $0x3F7E4961, v0  }
0x67: {  	s29 =	simm.s32 $0x40C0;
	vm0 =	vlt.s32 v1, v5;
	v5 =	vand.u32 $0x7FFFFFFF, v8;
	v18 =	vsel vm3, $0x3F7E4961, v0  }
0x68: {  	v14 =	vld [tilespmem:s29+$0x30];
	v7 =	vmul.f32 v6, v2;
	v6 =	vsel vm1, $0x3F7E4961, v0;
	v2 =	vand.u32 $0x7FFFFFFF, v9  }
0x69: {  	vm1 =	vlt.s32 v1, v5;
	v13 =	vsel vm0, $0x3F7E4961, v0;
	vm0 =	vlt.s32 v1, v2;
	v2 =	vld [tilespmem:s29+$0xFFFFFFD0]  }
0x6a: {  	v5 =	vand.u32 $0x7FFFFFFF, v10;
	v12 =	vmul.f32 v18, v12;
	v15 =	vsel vm1, $0x3F7E4961, v0  }
0x6b: {  	s25 =	simm.s32 $0xC040;
	vm1 =	vlt.s32 v1, v5;
	v5 =	vand.u32 $0x7FFFFFFF, v11;
	v3 =	vmul.f32 v6, v3;
	v6 =	vld [tilespmem:s29+$0xFFFFFFE0]  }
0x6c: {  	v4 =	vmul.f32 v13, v4;
	vm2 =	vlt.s32 v1, v5;
	v63 =	vsel vm0, $0x3F7E4961, v0;
	[tilespmem:s25+$0x30] =	vst v7;
	v5 =	vld [tilespmem:s29+$0xFFFFFFF0]  }
0x6d: {  	v17 =	vsel vm1, $0x3F7E4961, v0;
	v7 =	vld [tilespmem:s29+$0x0];
	v8 =	vmul.f32 v15, v8;
	v15 =	vand.u32 $0x7FFFFFFF, v14;
	[tilespmem:s25+$0xFFFFFFD0] =	vst v3  }
0x6e: {  	v13 =	vsel vm2, $0x3F7E4961, v0;
	v3 =	vld [tilespmem:s29+$0x10];
	[tilespmem:s25+$0xFFFFFFE0] =	vst v4;
	v16 =	vmul.f32 v63, v9;
	v4 =	vand.u32 $0x7FFFFFFF, v2  }
0x6f: {  	[tilespmem:s25+$0xFFFFFFC0] =	vst v12;
	v10 =	vmul.f32 v17, v10;
	vm0 =	vlt.s32 v1, v15;
	vm1 =	vlt.s32 v1, v4;
	v4 =	vld [tilespmem:s29+$0x20]  }
0x70: {  	v9 =	vmul.f32 v13, v11;
	v12 =	vsel vm0, $0x3F7E4961, v0;
	[tilespmem:s25+$0xFFFFFFF0] =	vst v8;
	v8 =	vld [tilespmem:s29+$0xFFFFFFC0];
	v11 =	vand.u32 $0x7FFFFFFF, v6  }
0x71: {  	v14 =	vmul.f32 v12, v14;
	[tilespmem:s25+$0x0] =	vst v16;
	vm0 =	vlt.s32 v1, v11;
	v13 =	vand.u32 $0x7FFFFFFF, v5  }
0x72: {  	s26 =	simm.s32 $0xC0C0;
	[tilespmem:s25+$0x10] =	vst v10;
	v12 =	vand.u32 $0x7FFFFFFF, v7;
	v11 =	vsel vm1, $0x3F7E4961, v0;
	v10 =	vsel vm0, $0x3F7E4961, v0  }
0x73: {  	s28 =	simm.s32 $0x8;
	[tilespmem:s26+$0x30] =	vst v14;
	s29 =	simm.s32 $0x4140;
	vm1 =	vlt.s32 v1, v13;
	vm0 =	vlt.s32 v1, v12;
	v12 =	vand.u32 $0x7FFFFFFF, v3  }
.LBB2_9:
0x74: {  	v13 =	vld [tilespmem:s29+$0x30];
	s28 =	sadd.s32 $0x8, s28;
	v14 =	vsel vm1, $0x3F7E4961, v0;
	vm1 =	vlt.s32 v1, v12;
	v12 =	vand.u32 $0x7FFFFFFF, v4;
	[tilespmem:s25+$0x20] =	vst v9;
	s25 =	smov.u32 s26  }
0x75: {  	v11 =	vmul.f32 v11, v2;
	p0 =	slt.u32 s28, $0x3F8;
	v9 =	vand.u32 $0x7FFFFFFF, v8;
	v2 =	vld [tilespmem:s29+$0xFFFFFFD0];
	vm2 =	vlt.s32 v1, v12  }
0x76: {  	v15 =	vsel vm1, $0x3F7E4961, v0;
	v12 =	vld [tilespmem:s29+$0xFFFFFFE0];
	vm3 =	vlt.s32 v1, v9;
	v9 =	vsel vm0, $0x3F7E4961, v0  }
0x77: {  	v6 =	vmul.f32 v10, v6;
	v10 =	vsel vm2, $0x3F7E4961, v0;
	v16 =	vld [tilespmem:s29+$0xFFFFFFF0];
	v17 =	vsel vm3, $0x3F7E4961, v0;
	[tilespmem:s26+$0xFFFFFFD0] =	vst v11  }
0x78: {  	v5 =	vmul.f32 v14, v5;
	v18 =	vld [tilespmem:s29+$0x0];
	v8 =	vmul.f32 v17, v8  }
0x79: {  	v14 =	vmul.f32 v15, v3;
	v7 =	vmul.f32 v9, v7;
	v11 =	vand.u32 $0x7FFFFFFF, v13;
	[tilespmem:s26+$0xFFFFFFE0] =	vst v6;
	v3 =	vld [tilespmem:s29+$0x10]  }
.Ltmp6:
0x7a: {  	v9 =	vmul.f32 v10, v4;
	v15 =	vand.u32 $0x7FFFFFFF, v2;
	vm0 =	vlt.s32 v1, v11;
	[tilespmem:s26+$0xFFFFFFC0] =	vst v8;
	v4 =	vld [tilespmem:s29+$0x20];
	(pc) =	sbr.rel @p0 .LBB2_9-.Ltmp6, $4  }
0x7b: {  	v8 =	vld [tilespmem:s29+$0xFFFFFFC0];
	vm1 =	vlt.s32 v1, v15;
	v10 =	vand.u32 $0x7FFFFFFF, v12;
	v11 =	vsel vm0, $0x3F7E4961, v0;
	[tilespmem:s26+$0xFFFFFFF0] =	vst v5;
	v6 =	vmovc v12  }
0x7c: {  	vm0 =	vlt.s32 v1, v10;
	v10 =	vand.u32 $0x7FFFFFFF, v16;
	v13 =	vmul.f32 v11, v13;
	[tilespmem:s26+$0x0] =	vst v7;
	v5 =	vmovc v16  }
0x7d: {  	v11 =	vsel vm1, $0x3F7E4961, v0;
	s26 =	sadd.s32 $0x80, s26;
	vm1 =	vlt.s32 v1, v10;
	v12 =	vand.u32 $0x7FFFFFFF, v18;
	[tilespmem:s25+$0x10] =	vst v14;
	v7 =	vmovc v18  }
0x7e: {  	s29 =	sadd.s32 $0x80, s29;
	v10 =	vsel vm0, $0x3F7E4961, v0;
	vm0 =	vlt.s32 v1, v12;
	v12 =	vand.u32 $0x7FFFFFFF, v3;
	[tilespmem:s26+$0x30] =	vst v13  }
0x7f: {  	_ = 	snop  }
0x80: {  	v2 =	vmul.f32 v11, v2;
	v13 =	vand.u32 $0x7FFFFFFF, v8  }
0x81: {  	[tilespmem:s25+$0x20] =	vst v9;
	v6 =	vmul.f32 v10, v6;
	v60 =	vsel vm1, $0x3F7E4961, v0;
	vm2 =	vlt.s32 v1, v13  }
0x82: {  	vm14 =	vlt.s32 v1, v12;
	v5 =	vmul.f32 v60, v5;
	[tilespmem:s26+$0xFFFFFFD0] =	vst v2;
	v59 =	vsel vm2, $0x3F7E4961, v0  }
0x83: {  	v61 =	vand.u32 $0x7FFFFFFF, v4;
	v62 =	vsel vm0, $0x3F7E4961, v0;
	[tilespmem:s26+$0xFFFFFFE0] =	vst v6;
	v2 =	vmul.f32 v59, v8  }
0x84: {  	p0 =	seq.s32 s22, $0xF;
	vm15 =	vlt.s32 v1, v61;
	v63 =	vsel vm14, $0x3F7E4961, v0;
	v7 =	vmul.f32 v62, v7;
	[tilespmem:s26+$0xFFFFFFF0] =	vst v5  }
.Ltmp7:
0x85: {  	v3 =	vmul.f32 v63, v3;
	[tilespmem:s26+$0xFFFFFFC0] =	vst v2;
	v2 =	vsel vm15, $0x3F7E4961, v0;
	(pc) =	sbr.rel @p0 .LBB2_12-.Ltmp7, $4  }
0x86: {  	[tilespmem:s26+$0x0] =	vst v7;
	v2 =	vmul.f32 v2, v4  }
0x87: {  	s24 =	sadd.s32 s24, s3;
	[tilespmem:s26+$0x10] =	vst v3  }
0x88: {  	s24 =	sadd.s32 $0x800, s24;
	[tilespmem:s26+$0x20] =	vst v2  }
0x89: {  	[hbm4b:s24+s4] =	stream.linear.scatter [tilespmem:s19], [sflag:$0x4], $0x4000, $0x38;
	[tilespmem:$0x10080] =	vst v63  }
.Ltmp8:
0x8a: {  	(pc) =	sbr.rel .LBB2_2-.Ltmp8, $4  }
0x8b: {  	s23 =	sadd.s32 s23, s10  }
0x8c: {  	s23 =	sshrl.u32 s23, $0x3  }
0x8d: {  	s22 =	sadd.s32 $0x1, s22;
	s23 =	sadd.s32 s2, s23  }
0x8e: {  	[tilespmem:s14], [sflag:$0x2] =	stream.linear.gather [hbm4b:s23+s4], $0x4000, $0x38;
	[tilespmem:$0x10080] =	vst v63  }
.LBB2_13:
0x8f: {  	_ =	sfence.sel $0x180000  }
0x90: {  	[bflag:$0x0] =	sbarrier.arrive $0xFFFF  }
0x91: {  	p0 =	sne.s32 s1, $0x0;
	_ =	strace $0x90000050  }
0x92: {  	s0 =	sadd.s32 @!p0 $0x100000, s0;
	[bflag:$0x2] =	sbarrier.arrive $0xFFFF  }
0x93: {  	[sflag:s0] =	ssyncadd.tile.s32 @!p0 $0x1;
	_ =	shalt  }
.Lfunc_end2:
_tile_overlayer_lowered:
.L_overlay_start_2:
0x94: {  	(tag) =	ssettag $0x2  }
0x95: {  	s0 =	rddreg [dreg:$0x0];
	s2 =	stileid.u32  }
0x96: {  	s1 =	rddreg [dreg:$0x1];
	p0 =	sne.s32 s2, $0x0  }
0x97: {  	s3 =	rddreg [dreg:$0x2];
	[bflag:$0x3] =	sbarrier.arrive $0xFFFF;
	s2 =	simm.s32 @!p0 $0x1C05  }
0x98: {  	[timem:s3], [sflag:s2] =	dma.local @!p0 [hbm:s0], s1  }
0x99: {  	s0 =	simm.s32 @!p0 $0x5  }
0x9a: {  	_ =	swait.ge @!p0 [sflag:s0], s1  }
0x9b: {  	s1 =	ssub.s32 @!p0 $0x0, s1;
	[sflag:s0] =	ssyncset.done @!p0 $0x0  }
0x9c: {  	[sflag:s0] =	ssyncadd.s32 @!p0 s1  }
0x9d: {  	[bflag:$0x3] =	sbarrier.arrive $0xFFFF  }
0x9e: {  	_ =	shalt  }

// kernel: kernel.6.cloned.1.call-start
scs
__scs_entry_jumppad:
0x0: {  	(pc) =	sbr.rel $0x88, $3  }
0x1: {  	(tag) =	ssettag $0x0;
	lr =	simm.s32 $0x1  }
0x2: {  	[smem:$0x3F9F] =	sst lr;
	_ =	strace $0xD0000000  }
0x3: {  	_ = 	snop  }
0x4: {  	_ = 	snop  }
0x5: {  	_ = 	snop  }
0x6: {  	_ = 	snop  }
0x7: {  	_ = 	snop  }
__scs_overlays_trampoline_lowered:
0x8: {  	[smem:$0x3FAE] =	sst s0  }
0x9: {  	[smem:$0x3FAF] =	sst s1  }
0xa: {  	[smem:$0x3FB0] =	sst s2  }
0xb: {  	[smem:$0x3FB1] =	sst s3  }
0xc: {  	[smem:$0x3FB2] =	sst s4  }
0xd: {  	[smem:$0x3FB3] =	sst s5  }
0xe: {  	[smem:$0x3FB4] =	sst s6  }
0xf: {  	[smem:$0x3FB5] =	sst s7  }
0x10: {  	[smem:$0x3FB6] =	sst s8  }
0x11: {  	[smem:$0x3FB7] =	sst s9;
	s0 =	simm.s32 @!p0 $0x0  }
0x12: {  	s1 =	sld [smem:$0x3F9D];
	s0 =	simm.s32 @p0 $0x1  }
0x13: {  	[smem:$0x3FB8] =	sst s0;
	s0 =	simm.s32 @!p1 $0x0  }
0x14: {  	s2 =	sld [smem:$0x3F9C];
	s0 =	simm.s32 @p1 $0x1  }
0x15: {  	[smem:$0x3FB9] =	sst s0;
	s0 =	simm.s32 @!p2 $0x0  }
0x16: {  	s3 =	sld [smem:$0x3FDB];
	s0 =	simm.s32 @p2 $0x1  }
0x17: {  	s4 =	simm.s32 $0x1BF5;
	[smem:$0x3FBB] =	sst s0  }
0x18: {  	s0 =	sld [smem:$0x3F9E];
	_ =	swait.ge [sflag:s4], $0x0  }
0x19: {  	s7 =	sld [smem:$0x3F9F]  }
0x1a: {  	s8 =	sadd.s32 $0xFFFFE003, lr  }
0x1b: {  	s9 =	sadd.s32 $0xFFFFFEF7, lr;
	s5 =	simm.s32 $0xFFFFFFFF;
	p2 =	slt.u32 s8, $0xFFFFF086  }
0x1c: {  	p1 =	slt.u32 s9, $0xF7A;
	s5 =	simm.s32 @!p2 $0x0  }
0x1d: {  	s5 =	simm.s32 @p1 $0x1;
	p0 =	seq.s32 s7, s2  }
0x1e: {  	s7 =	smul.u32 @!p0 $0xF7A, s2;
	p2 =	seq.s32 @!p0 s5, $0x0  }
0x1f: {  	s9 =	smul.u32 $0xF7A, s1;
	s8 =	simm.s32 @!p0 $0x1BF5;
	p2 =	por !p2, p0  }
0x20: {  	[sflag:s8] =	ssyncset.s32 @!p0 $0xFFFFF086;
	s6 =	sadd.s32 @!p0 s3, s7;
	s7 =	simm.s32 @!p0 $0x108  }
0x21: {  	s3 =	sadd.s32 s3, s9;
	s6 =	sadd.s32 @!p0 $0x88, s6;
	s7 =	simm.s32 @p2 $0x1082  }
0x22: {  	[simem:s7], [sflag:s8] =	dma.local @!p0 [hbm:s6], $0xF7A  }
0x23: {  	s9 =	sor.u32 $0xD0000000, s2;
	s6 =	simm.s32 $0x108;
	_ =	swait.ge @!p0 [sflag:s8], $0x0  }
0x24: {  	s3 =	sadd.s32 $0x88, s3;
	s6 =	simm.s32 @!p1 $0x1082;
	[sflag:s4] =	ssyncset.s32 $0xFFFFF086  }
0x25: {  	[simem:s6], [sflag:s4] =	dma.local [hbm:s3], $0xF7A  }
0x26: {  	[smem:$0x3F9F] =	sst s1;
	(tag) =	ssettag s2;
	_ =	strace s9  }
0x27: {  	s1 =	sld [smem:$0x3FAF]  }
0x28: {  	s2 =	sld [smem:$0x3FB0]  }
0x29: {  	s4 =	sld [smem:$0x3FB2]  }
0x2a: {  	p0 =	seq.s32 s5, $0x0;
	s5 =	sld [smem:$0x3FB3]  }
0x2b: {  	s6 =	sld [smem:$0x3FB4]  }
0x2c: {  	s7 =	sld [smem:$0x3FB5]  }
0x2d: {  	s3 =	simm.s32 $0x108;
	s8 =	sld [smem:$0x3FB6]  }
0x2e: {  	s3 =	simm.s32 @!p0 $0x1082;
	s9 =	sld [smem:$0x3FB7]  }
0x2f: {  	lr =	sadd.s32 s0, s3;
	s0 =	sld [smem:$0x3FAE]  }
0x30: {  	s3 =	sld [smem:$0x3FB1]  }
0x31: {  	[smem:$0x3FBA] =	sst s10  }
0x32: {  	s10 =	sld [smem:$0x3FB8];
	_ =	sdelay $0x3  }
0x33: {  	p0 =	seq.s32 s10, $0x1;
	s10 =	sld [smem:$0x3FBA];
	_ =	sdelay $0x3  }
0x34: {  	[smem:$0x3FBA] =	sst s10  }
0x35: {  	s10 =	sld [smem:$0x3FB9];
	_ =	sdelay $0x3  }
0x36: {  	p1 =	seq.s32 s10, $0x1;
	s10 =	sld [smem:$0x3FBA];
	_ =	sdelay $0x3  }
0x37: {  	[smem:$0x3FBA] =	sst s10  }
0x38: {  	s10 =	sld [smem:$0x3FBB]  }
0x39: {  	_ = 	snop;
	(pc) =	sbr.ind lr, $3  }
0x3a: {  	_ = 	snop  }
0x3b: {  	_ = 	snop  }
0x3c: {  	p2 =	seq.s32 s10, $0x1;
	s10 =	sld [smem:$0x3FBA]  }
0x3d: {  	_ =	shalt  }
0x3e: {  	_ =	shalt  }
0x3f: {  	_ =	shalt  }
0x40: {  	_ =	shalt  }
0x41: {  	_ =	shalt  }
0x42: {  	_ =	shalt  }
0x43: {  	_ =	shalt  }
0x44: {  	_ =	shalt  }
0x45: {  	_ =	shalt  }
0x46: {  	_ =	shalt  }
0x47: {  	_ =	shalt  }
0x48: {  	_ =	shalt  }
0x49: {  	_ =	shalt  }
0x4a: {  	_ =	shalt  }
0x4b: {  	_ =	shalt  }
0x4c: {  	_ =	shalt  }
0x4d: {  	_ =	shalt  }
0x4e: {  	_ =	shalt  }
0x4f: {  	_ =	shalt  }
0x50: {  	_ =	shalt  }
0x51: {  	_ =	shalt  }
0x52: {  	_ =	shalt  }
0x53: {  	_ =	shalt  }
0x54: {  	_ =	shalt  }
0x55: {  	_ =	shalt  }
0x56: {  	_ =	shalt  }
0x57: {  	_ =	shalt  }
0x58: {  	_ =	shalt  }
0x59: {  	_ =	shalt  }
0x5a: {  	_ =	shalt  }
0x5b: {  	_ =	shalt  }
0x5c: {  	_ =	shalt  }
0x5d: {  	_ =	shalt  }
0x5e: {  	_ =	shalt  }
0x5f: {  	_ =	shalt  }
0x60: {  	_ =	shalt  }
0x61: {  	_ =	shalt  }
0x62: {  	_ =	shalt  }
0x63: {  	_ =	shalt  }
0x64: {  	_ =	shalt  }
0x65: {  	_ =	shalt  }
0x66: {  	_ =	shalt  }
0x67: {  	_ =	shalt  }
0x68: {  	_ =	shalt  }
0x69: {  	_ =	shalt  }
0x6a: {  	_ =	shalt  }
0x6b: {  	_ =	shalt  }
0x6c: {  	_ =	shalt  }
0x6d: {  	_ =	shalt  }
0x6e: {  	_ =	shalt  }
0x6f: {  	_ =	shalt  }
0x70: {  	_ =	shalt  }
0x71: {  	_ =	shalt  }
0x72: {  	_ =	shalt  }
0x73: {  	_ =	shalt  }
0x74: {  	_ =	shalt  }
0x75: {  	_ =	shalt  }
0x76: {  	_ =	shalt  }
0x77: {  	_ =	shalt  }
0x78: {  	_ =	shalt  }
0x79: {  	_ =	shalt  }
0x7a: {  	_ =	shalt  }
0x7b: {  	_ =	shalt  }
0x7c: {  	_ =	shalt  }
0x7d: {  	_ =	shalt  }
0x7e: {  	_ =	shalt  }
0x7f: {  	_ =	shalt  }
0x80: {  	_ =	shalt  }
0x81: {  	_ =	shalt  }
0x82: {  	_ =	shalt  }
0x83: {  	_ =	shalt  }
0x84: {  	_ =	shalt  }
0x85: {  	_ =	shalt  }
0x86: {  	_ =	shalt  }
0x87: {  	_ =	shalt  }
.Lfunc_end0:
.L_simem_size_0:
called_computation_lowered:
.L_overlay_start_0:
0x88: {  	s2 =	sld [smem:$0x3FD9]  }
0x89: {  	s3 =	sld [smem:$0x3FFE];
	_ =	sdelay $0x1  }
0x8a: {  	s1 =	srdreg.scid  }
0x8b: {  	s0 =	sand.u32 $0x1, s1  }
0x8c: {  	s14 =	sshll.u32 s0, $0xA;
	s2 =	sadd.s32 s3, s2  }
0x8d: {  	s2 =	sadd.s32 s2, s14  }
0x8e: {  	[smem:$0x3FC6] =	sst s2  }
0x8f: {  	_ = 	snop  }
0x90: {  	s2 =	sld [smem:$0x3FD0];
	_ =	sdelay $0x1  }
0x91: {  	s15 =	sld [smem:$0x3FC9]  }
0x92: {  	s5 =	simm.s32 $0xA;
	s6 =	simm.s32 $0x10;
	s4 =	sld [smem:$0x3FC8]  }
0x93: {  	[smem:s6], [sflag:s5] =	dma.local [hbm:s2], $0x1  }
0x94: {  	_ =	swait.eq [sflag:s5], $0x1  }
0x95: {  	[sflag:s5] =	ssyncset.done $0x0  }
0x96: {  	[sflag:s5] =	ssyncadd.s32 $0xFFFFFFFF  }
0x97: {  	s16 =	sld [smem:$0x10];
	(tm) =	ssettm $0x1  }
0x98: {  	s17 =	sld [smem:$0x3FFB];
	_ =	sdelay $0x3  }
0x99: {  	_ =	strace s17  }
0x9a: {  	s5 =	sld [smem:$0x3FFC];
	_ =	sdelay $0x3  }
0x9b: {  	_ =	strace s5  }
0x9c: {  	s5 =	sld [smem:$0x3FFD];
	_ =	sdelay $0x3  }
0x9d: {  	_ =	strace s5  }
0x9e: {  	_ =	strace $0x8FFFFFFF  }
0x9f: {  	s18 =	sld [smem:$0x3FDB];
	_ =	sdelay $0x1  }
0xa0: {  	s19 =	simm.s32 $_scs_section_size  }
0xa1: {  	s7 =	simm.s32 $_size__tile_overlayer_lowered;
	s8 =	simm.s32 $_tile_overlayer_lowered  }
0xa2: {  	s22 =	simm.s32 $0x1BFF;
	s21 =	sshll.u32 s8, $0x1;
	s5 =	sadd.s32 s19, s18  }
0xa3: {  	s9 =	simm.s32 $0x0;
	s20 =	sshll.u32 s7, $0x1;
	s7 =	sadd.s32 s21, s5  }
0xa4: {  	[timem:s9], [sflag:s22] =	dma.local [hbm:s7], s20  }
0xa5: {  	_ =	swait.ge [sflag:s22], s20  }
0xa6: {  	s6 =	ssub.s32 $0x0, s20;
	[sflag:s22] =	ssyncset.done $0x0  }
0xa7: {  	[sflag:s22] =	ssyncadd.s32 s6;
	_ =	sdelay $0x1  }
0xa8: {  	s23 =	simm.s32 $0x1B8B  }
0xa9: {  	_ =	swait.ge [sflag:s23], $0x1  }
0xaa: {  	[sflag:s23] =	ssyncset.done $0x0  }
0xab: {  	s25 =	simm.s32 $0x1B8E;
	s24 =	sld [smem:$0x3FFE];
	[sflag:s23] =	ssyncadd.s32 $0xFFFFFFFF  }
0xac: {  	s26 =	simm.s32 $execute0_lowered;
	[smem:$0x3FD2] =	sst s25  }
0xad: {  	s7 =	sshll.u32 s26, $0x1;
	_ =	strace $0x80000046;
	[dreg:$0x1] =	wrdreg $0xFFFFFFFF  }
0xae: {  	s28 =	simm.s32 $_size_execute0_lowered;
	s5 =	sadd.s32 s5, s7;
	[dreg:$0x0] =	wrdreg $0x0  }
0xaf: {  	s7 =	sshll.u32 s28, $0x1;
	[dreg:$0x2] =	wrdreg s5  }
0xb0: {  	[dreg:$0x3] =	wrdreg s7  }
0xb1: {  	[dreg:$0x4] =	wrdreg $0xC0  }
0xb2: {  	_ =	task [dreg:s9], $0x5FFFF  }
0xb3: {  	[dreg:$0x1] =	wrdreg $0xFFFFFFFF  }
0xb4: {  	[dreg:$0x0] =	wrdreg $0x60  }
0xb5: {  	[dreg:$0x2] =	wrdreg s15  }
0xb6: {  	[dreg:$0x3] =	wrdreg s4  }
0xb7: {  	[dreg:$0x4] =	wrdreg s24  }
0xb8: {  	[dreg:$0x5] =	wrdreg s16  }
0xb9: {  	[dreg:$0x6] =	wrdreg $0x9  }
0xba: {  	_ =	task.clear_ibuf [dreg:s9], $0x7FFFF;
	_ =	strace $0x90000046  }
0xbb: {  	s29 =	simm.s32 $0x9;
	_ =	strace $0x80000048  }
0xbc: {  	_ =	swait.ge [sflag:s29], $0x1  }
0xbd: {  	[sflag:s29] =	ssyncadd.s32 $0xFFFFFFFF  }
0xbe: {  	_ =	strace $0x90000048  }
0xbf: {  	_ =	sfence  }
0xc0: {  	s30 =	sld [smem:$0x0];
	_ =	sdelay $0x2  }
0xc1: {  	s31 =	sshll.u32 s1, $0xD;
	s1 =	sshrl.u32 s1, $0x2  }
0xc2: {  	s3 =	sand.u32 $0x4000, s31;
	s1 =	sadd.s32 s1, s30  }
0xc3: {  	s0 =	sor.u32 s3, s0;
	s1 =	sshll.u32 s1, $0x11  }
0xc4: {  	s0 =	sor.u32 s1, s0  }
0xc5: {  	s0 =	sadd.s32 $0x8F2B, s0  }
0xc6: {  	[sflag:s0] =	ssyncadd.remote.s32 $0x1  }
0xc7: {  	_ =	sfence.sel $0xFFFF  }
0xc8: {  	[dreg:$0x0] =	wrdreg $0xFFFFFFFF;
	(pc) =	sbr.abs _section_cstart, $3  }
0xc9: {  	[dreg:$0x1] =	wrdreg $0xFFFFFFFF  }
0xca: {  	_ =	task.clear_ibuf [dreg:s9], $0x2FFFF;
	_ =	strace $0x9FFFFFFF  }
0xcb: {  	(tm) =	ssettm $0x7FFFFFFF  }
tec
execute0_lowered:
.L_overlay_start_1:
0x0: {  	(tag) =	ssettag $0x1  }
0x1: {  	s1 =	rddreg [dreg:$0x0]  }
0x2: {  	s2 =	rddreg [dreg:$0x1]  }
0x3: {  	s3 =	rddreg [dreg:$0x2]  }
0x4: {  	s0 =	rddreg [dreg:$0x3];
	s4 =	srdreg.scid;
	s5 =	simm.s32 $0x0  }
0x5: {  	s9 =	stileid.u32;
	s16 =	simm.s32 $0x2000;
	s17 =	simm.s32 $0x6000  }
0x6: {  	s18 =	simm.s32 $0x1;
	s19 =	simm.s32 $0x3;
	s20 =	simm.s32 $0xC000  }
0x7: {  	s21 =	simm.s32 $0x8000;
	s22 =	simm.s32 $0x2;
	s23 =	simm.s32 $0x4  }
0x8: {  	s30 =	simm.s32 $0x7;
	s31 =	simm.s32 $0x0;
	s4 =	sand.u32 $0x1, s4  }
0x9: {  	[smem:$0x7FF] =	sst s5;
	s7 =	sshll.u32 s9, $0x1;
	s6 =	ssub.s32 $0x2, s4  }
0xa: {  	s29 =	sshll.u32 s9, $0xD;
	s4 =	sor.u32 s4, s7;
	s8 =	sshrl.u32 s6, $0x1  }
0xb: {  	_ =	strace $0x80000047;
	s25 =	sshll.u32 s4, $0x10;
	s24 =	ssub.s32 s6, s8  }
0xc: {  	s6 =	sshll.u32 s4, $0x13;
	s10 =	sadd.s32 s1, s25;
	s26 =	sadd.s32 s2, s25  }
0xd: {  	s8 =	sor.u32 $0x400, s25;
	s4 =	sshll.u32 s4, $0x4;
	[dreg:$0x5] =	wrdreg s10  }
.Ltmp0:
0xe: {  	s25 =	simm.s32 $0x5;
	[dreg:$0x6] =	wrdreg s26;
	(pc) =	sbr.rel .LBB2_1-.Ltmp0, $4  }
0xf: {  	s28 =	sadd.s32 s1, s8;
	s10 =	sadd.s32 s2, s8;
	s11 =	sor.u32 $0x4000, s6  }
0x10: {  	s8 =	sand.u32 $0x18000, s29;
	s12 =	sor.u32 $0x6000, s6;
	s4 =	sand.u32 $0x70, s4  }
0x11: {  	s14 =	smax.u32 s24, $0x1;
	s24 =	simm.s32 $0xA000;
	s0 =	sadd.s32 s0, s8  }
0x12: {  	v0 =	vimm.s32 $0x0;
	v1 =	vlaneseq.u32;
	v2 =	vimm.s32 $0x1;
	s26 =	simm.s32 $0x6;
	[dreg:$0x7] =	wrdreg s28;
	s13 =	sadd.s32 s4, s0  }
.LBB2_10:
0x13: {  	_ =	swait.ge [sflag:s25], $0x2000  }
0x14: {  	[sflag:s25] =	ssyncset.done $0x0  }
0x15: {  	[sflag:s25] =	ssyncadd.s32 $0xFFFFE000  }
0x16: {  	s31 =	sadd.s32 $0x1, s31;
	_ =	swait.ge [sflag:s26], $0x2000  }
0x17: {  	s0 =	simm.s32 $0x80;
	p0 =	sne.s32 s31, s14;
	[sflag:s26] =	ssyncset.done $0x0  }
.Ltmp1:
0x18: {  	s4 =	simm.s32 $0x400;
	[sflag:s26] =	ssyncadd.s32 $0xFFFFE000;
	(pc) =	sbr.rel @!p0 .LBB2_11-.Ltmp1, $4  }
0x19: {  	[hbm4b:s13+s0] =	stream.strided.scatter [tilespmem:s20], [sflag:$0x7], $0x8000, s4, s0, $0x38;
	[tilespmem:$0x14000] =	vst v63  }
0x1a: {  	_ =	swait.ge [sflag:s30], $0x8000  }
0x1b: {  	[sflag:s30] =	ssyncset.done $0x0  }
0x1c: {  	[sflag:s30] =	ssyncadd.s32 $0xFFFF8000  }
.LBB2_1:
0x1d: {  	s0 =	simm.s32 $0xC040  }
0x1e: {  	[tilespmem:s0+$0xFFFFFFC0] =	vst v0  }
0x1f: {  	[tilespmem:s0+$0x30] =	vst v0  }
0x20: {  	[tilespmem:s0+$0x20] =	vst v0  }
0x21: {  	[tilespmem:s0+$0x10] =	vst v0  }
0x22: {  	[tilespmem:s0+$0x0] =	vst v0  }
0x23: {  	[tilespmem:s0+$0xFFFFFFF0] =	vst v0  }
0x24: {  	s4 =	simm.s32 $0x0;
	[tilespmem:s0+$0xFFFFFFE0] =	vst v0  }
.LBB2_2:
0x25: {  	s4 =	sadd.s32 $0x8, s4;
	[tilespmem:s0+$0xFFFFFFD0] =	vst v0;
	s0 =	sadd.s32 $0x80, s0  }
0x26: {  	[tilespmem:s0+$0xFFFFFFC0] =	vst v0;
	p0 =	slt.u32 s4, $0x7F8  }
0x27: {  	[tilespmem:s0+$0x30] =	vst v0  }
.Ltmp2:
0x28: {  	[tilespmem:s0+$0x20] =	vst v0;
	(pc) =	sbr.rel @p0 .LBB2_2-.Ltmp2, $4  }
0x29: {  	[tilespmem:s0+$0x10] =	vst v0  }
0x2a: {  	[tilespmem:s0+$0x0] =	vst v0  }
0x2b: {  	[tilespmem:s0+$0xFFFFFFF0] =	vst v0  }
0x2c: {  	[tilespmem:s0+$0xFFFFFFE0] =	vst v0  }
0x2d: {  	[tilespmem:s0+$0xFFFFFFD0] =	vst v0  }
0x2e: {  	s0 =	simm.s32 $0x0;
	s4 =	rddreg [dreg:$0x5]  }
0x2f: {  	[tilespmem:s0], [sflag:$0x1] =	stream.linear.gather [hbm4b:s4+s0], $0x2000, $0x38;
	[tilespmem:$0x14000] =	vst v63  }
0x30: {  	s7 =	simm.s32 $0x4000;
	s28 =	rddreg [dreg:$0x6]  }
0x31: {  	[tilespmem:s7], [sflag:$0x3] =	stream.linear.gather [hbm4b:s28+s0], $0x2000, $0x38;
	[tilespmem:$0x14000] =	vst v63  }
0x32: {  	s29 =	rddreg [dreg:$0x7]  }
0x33: {  	[tilespmem:s16], [sflag:$0x2] =	stream.linear.gather [hbm4b:s29+s0], $0x2000, $0x38;
	[tilespmem:$0x14000] =	vst v63  }
0x34: {  	_ = 	snop  }
0x35: {  	[tilespmem:s17], [sflag:$0x4] =	stream.linear.gather [hbm4b:s10+s0], $0x2000, $0x38;
	[tilespmem:$0x14000] =	vst v63  }
.LBB2_4:
0x36: {  	_ =	swait.ge [sflag:s18], $0x2000  }
0x37: {  	[sflag:s18] =	ssyncset.done $0x0  }
0x38: {  	[sflag:s18] =	ssyncadd.s32 $0xFFFFE000  }
0x39: {  	_ =	swait.ge [sflag:s19], $0x2000  }
0x3a: {  	p0 =	seq.s32 s0, $0x0;
	[sflag:s19] =	ssyncset.done $0x0  }
0x3b: {  	s4 =	simm.s32 @!p0 $0x5;
	[sflag:s19] =	ssyncadd.s32 $0xFFFFE000  }
0x3c: {  	_ =	swait.ge @!p0 [sflag:s4], $0x2000  }
0x3d: {  	[sflag:s4] =	ssyncset.done @!p0 $0x0  }
0x3e: {  	s15 =	simm.s32 $0x40;
	[sflag:s4] =	ssyncadd.s32 @!p0 $0xFFFFE000  }
0x3f: {  	v4 =	vld [tilespmem:s15+$0x30]  }
0x40: {  	s9 =	simm.s32 $0x4040;
	v5 =	vld [tilespmem:s15+$0x20]  }
0x41: {  	v6 =	vld [tilespmem:s9+$0x20]  }
0x42: {  	v7 =	vld [tilespmem:s9+$0x30]  }
0x43: {  	v8 =	vld [tilespmem:s9+$0xFFFFFFC0]  }
0x44: {  	v3 =	vld [tilespmem:s9+$0xFFFFFFE0]  }
0x45: {  	v9 =	vld [tilespmem:s15+$0xFFFFFFC0]  }
0x46: {  	v10 =	vld [tilespmem:s15+$0xFFFFFFF0];
	v11 =	vsub.f32 v6, v5  }
0x47: {  	v12 =	vld [tilespmem:s9+$0xFFFFFFF0];
	v4 =	vsub.f32 v7, v4  }
0x48: {  	v13 =	vld [tilespmem:s9+$0xFFFFFFD0];
	v6 =	vshrl.u32 v11, $0x10  }
0x49: {  	v16 =	vld [tilespmem:s15+$0xFFFFFFD0];
	v7 =	vshrl.u32 v4, $0x10;
	v6 =	vand.u32 $0x7FF0, v6  }
0x4a: {  	s28 =	simm.s32 $0x8040;
	v5 =	vld [tilespmem:s15+$0x10];
	v9 =	vsub.f32 v8, v9;
	v7 =	vand.u32 $0x7FF0, v7;
	v14 =	vor.u32 v1, v6  }
0x4b: {  	v8 =	vld [tilespmem:s9+$0x10];
	[tilespmem:s28+$0x30] =	vst v4;
	v15 =	vor.u32 v1, v7  }
0x4c: {  	[tilespmem:s28+$0xFFFFFFC0] =	vst v9;
	v4 =	vshrl.u32 v9, $0x10;
	v9 =	vld [tilespmem:s15+$0xFFFFFFE0]  }
0x4d: {  	v6 =	vld [tilespmem:s9+$0x0]  }
0x4e: {  	v12 =	vsub.f32 v12, v10;
	[tilespmem:s28+$0x20] =	vst v11;
	v7 =	vld [tilespmem:s15+$0x0]  }
0x4f: {  	s29 =	simm.s32 $0x0;
	v4 =	vand.u32 $0x7FF0, v4;
	[tilespmem:v14+s20+$0x0] =	vst.idx.add.s32.msk $0xffff, v2  }
0x50: {  	s7 =	simm.s32 $0x40C0;
	s8 =	simm.s32 $0x8040;
	s4 =	sshll.u32 s0, $0xE;
	v11 =	vsub.f32 v13, v16;
	v10 =	vshrl.u32 v12, $0x10;
	v4 =	vor.u32 v1, v4;
	[tilespmem:v15+s20+$0x0] =	vst.idx.add.s32.msk $0xffff, v2  }
.LBB2_5:
0x51: {  	v13 =	vld [tilespmem:s7+$0xFFFFFFC0];
	s29 =	sadd.s32 $0x8, s29;
	[tilespmem:s28+$0xFFFFFFF0] =	vst v12;
	v10 =	vand.u32 $0x7FF0, v10;
	s15 =	sadd.s32 $0x80, s15;
	s8 =	sadd.s32 $0x80, s8  }
0x52: {  	v5 =	vsub.f32 v8, v5;
	v12 =	vld [tilespmem:s15+$0x30];
	p1 =	slt.u32 s29, $0x1F8;
	[tilespmem:s28+$0xFFFFFFD0] =	vst v11;
	v11 =	vshrl.u32 v11, $0x10;
	v10 =	vor.u32 v1, v10  }
0x53: {  	v6 =	vsub.f32 v6, v7;
	v8 =	vld [tilespmem:s7+$0x30];
	v11 =	vand.u32 $0x7FF0, v11;
	v9 =	vsub.f32 v3, v9  }
0x54: {  	v7 =	vld [tilespmem:s15+$0x20];
	v11 =	vor.u32 v1, v11;
	[tilespmem:s28+$0x10] =	vst v5;
	v5 =	vshrl.u32 v5, $0x10  }
0x55: {  	v3 =	vld [tilespmem:s7+$0xFFFFFFE0];
	v14 =	vshrl.u32 v9, $0x10;
	[tilespmem:s28+$0x0] =	vst v6;
	v6 =	vshrl.u32 v6, $0x10;
	v5 =	vand.u32 $0x7FF0, v5  }
0x56: {  	v15 =	vld [tilespmem:s7+$0x20];
	[tilespmem:s28+$0xFFFFFFE0] =	vst v9;
	v9 =	vand.u32 $0x7FF0, v14;
	v6 =	vand.u32 $0x7FF0, v6;
	v5 =	vor.u32 v1, v5;
	s28 =	smov.u32 s8  }
0x57: {  	v14 =	vld [tilespmem:s15+$0xFFFFFFF0];
	v9 =	vor.u32 v1, v9;
	v6 =	vor.u32 v1, v6  }
0x58: {  	v16 =	vld [tilespmem:s15+$0xFFFFFFC0]  }
0x59: {  	v8 =	vsub.f32 v8, v12;
	[tilespmem:v11+s20+$0x0] =	vst.idx.add.s32.msk $0xffff, v2  }
0x5a: {  	[tilespmem:v4+s20+$0x0] =	vst.idx.add.s32.msk $0xffff, v2  }
0x5b: {  	v4 =	vsub.f32 v15, v7;
	v7 =	vshrl.u32 v8, $0x10;
	[tilespmem:v5+s20+$0x0] =	vst.idx.add.s32.msk $0xffff, v2  }
0x5c: {  	v5 =	vand.u32 $0x7FF0, v7;
	[tilespmem:v9+s20+$0x0] =	vst.idx.add.s32.msk $0xffff, v2  }
0x5d: {  	v7 =	vshrl.u32 v4, $0x10;
	[tilespmem:v6+s20+$0x0] =	vst.idx.add.s32.msk $0xffff, v2  }
0x5e: {  	v11 =	vld [tilespmem:s7+$0xFFFFFFF0];
	[tilespmem:s8+$0x20] =	vst v4;
	v4 =	vand.u32 $0x7FF0, v7  }
0x5f: {  	v15 =	vor.u32 v1, v5;
	[tilespmem:v10+s20+$0x0] =	vst.idx.add.s32.msk $0xffff, v2  }
0x60: {  	v6 =	vsub.f32 v13, v16;
	v10 =	vor.u32 v1, v4;
	v5 =	vld [tilespmem:s15+$0x10];
	[tilespmem:s8+$0x30] =	vst v8  }
0x61: {  	v13 =	vld [tilespmem:s7+$0xFFFFFFD0]  }
0x62: {  	v4 =	vshrl.u32 v6, $0x10;
	[tilespmem:s8+$0xFFFFFFC0] =	vst v6;
	v6 =	vld [tilespmem:s7+$0x0]  }
0x63: {  	v4 =	vand.u32 $0x7FF0, v4;
	v16 =	vld [tilespmem:s15+$0xFFFFFFD0]  }
.Ltmp3:
0x64: {  	v4 =	vor.u32 v1, v4;
	v8 =	vld [tilespmem:s7+$0x10];
	(pc) =	sbr.rel @p1 .LBB2_5-.Ltmp3, $4  }
0x65: {  	v7 =	vld [tilespmem:s15+$0x0]  }
0x66: {  	v12 =	vsub.f32 v11, v14;
	v9 =	vld [tilespmem:s15+$0xFFFFFFE0]  }
0x67: {  	[tilespmem:v10+s20+$0x0] =	vst.idx.add.s32.msk $0xffff, v2  }
0x68: {  	s7 =	sadd.s32 $0x80, s7;
	v10 =	vshrl.u32 v12, $0x10;
	v11 =	vsub.f32 v13, v16;
	[tilespmem:v15+s20+$0x0] =	vst.idx.add.s32.msk $0xffff, v2  }
0x69: {  	_ = 	snop  }
0x6a: {  	v5 =	vsub.f32 v8, v5;
	v13 =	vshrl.u32 v11, $0x10  }
0x6b: {  	v6 =	vsub.f32 v6, v7;
	v8 =	vand.u32 $0x7FF0, v13  }
0x6c: {  	[tilespmem:s28+$0xFFFFFFF0] =	vst v12;
	v3 =	vsub.f32 v3, v9;
	v7 =	vor.u32 v1, v8;
	v8 =	vshrl.u32 v5, $0x10  }
0x6d: {  	[tilespmem:s28+$0x10] =	vst v5;
	v5 =	vshrl.u32 v6, $0x10;
	v8 =	vand.u32 $0x7FF0, v8  }
0x6e: {  	[tilespmem:v4+s20+$0x0] =	vst.idx.add.s32.msk $0xffff, v2;
	v9 =	vshrl.u32 v3, $0x10;
	v5 =	vand.u32 $0x7FF0, v5;
	v8 =	vor.u32 v1, v8  }
0x6f: {  	[tilespmem:s28+$0xFFFFFFE0] =	vst v3;
	v9 =	vand.u32 $0x7FF0, v9;
	v3 =	vor.u32 v1, v5  }
0x70: {  	[tilespmem:s28+$0x0] =	vst v6;
	v6 =	vor.u32 v1, v9;
	v9 =	vand.u32 $0x7FF0, v10  }
0x71: {  	[tilespmem:s28+$0xFFFFFFD0] =	vst v11;
	v5 =	vor.u32 v1, v9  }
0x72: {  	[tilespmem:v7+s20+$0x0] =	vst.idx.add.s32.msk $0xffff, v2  }
0x73: {  	[tilespmem:v8+s20+$0x0] =	vst.idx.add.s32.msk $0xffff, v2  }
0x74: {  	s7 =	sor.u32 s6, s4;
	[tilespmem:v3+s20+$0x0] =	vst.idx.add.s32.msk $0xffff, v2  }
0x75: {  	s15 =	sshrl.u32 s7, $0x3;
	[tilespmem:v6+s20+$0x0] =	vst.idx.add.s32.msk $0xffff, v2  }
0x76: {  	p1 =	seq.s32 s0, $0x1F;
	s7 =	sadd.s32 s3, s15;
	[tilespmem:v5+s20+$0x0] =	vst.idx.add.s32.msk $0xffff, v2  }
0x77: {  	[hbm4b:s7+s5] =	stream.linear.scatter [tilespmem:s21], [sflag:$0x5], $0x2000, $0x38;
	[tilespmem:$0x14000] =	vst v63  }
0x78: {  	s7 =	sadd.s32 @!p1 s4, s11  }
0x79: {  	s7 =	sshrl.u32 @!p1 s7, $0x3  }
0x7a: {  	s9 =	simm.s32 @!p1 $0x0;
	s8 =	sadd.s32 @!p1 s1, s7  }
0x7b: {  	[tilespmem:s9], [sflag:$0x1] =	stream.linear.gather @!p1 [hbm4b:s8+s9], $0x2000, $0x38;
	[tilespmem:$0x14000] =	vst v63  }
0x7c: {  	s7 =	sadd.s32 @!p1 s2, s7;
	s8 =	simm.s32 @!p1 $0x4000  }
0x7d: {  	[tilespmem:s8], [sflag:$0x3] =	stream.linear.gather @!p1 [hbm4b:s7+s9], $0x2000, $0x38;
	[tilespmem:$0x14000] =	vst v63  }
0x7e: {  	_ =	swait.ge [sflag:s22], $0x2000  }
0x7f: {  	[sflag:s22] =	ssyncset.done $0x0  }
0x80: {  	[sflag:s22] =	ssyncadd.s32 $0xFFFFE000  }
0x81: {  	_ =	swait.ge [sflag:s23], $0x2000  }
0x82: {  	[sflag:s23] =	ssyncset.done $0x0  }
0x83: {  	s7 =	simm.s32 @!p0 $0x6;
	[sflag:s23] =	ssyncadd.s32 $0xFFFFE000  }
0x84: {  	_ =	swait.ge @!p0 [sflag:s7], $0x2000  }
0x85: {  	[sflag:s7] =	ssyncset.done @!p0 $0x0  }
0x86: {  	s28 =	simm.s32 $0x2040;
	[sflag:s7] =	ssyncadd.s32 @!p0 $0xFFFFE000  }
0x87: {  	v4 =	vld [tilespmem:s28+$0x30]  }
0x88: {  	s9 =	simm.s32 $0x6040;
	v5 =	vld [tilespmem:s28+$0x20]  }
0x89: {  	v6 =	vld [tilespmem:s9+$0x20]  }
0x8a: {  	v7 =	vld [tilespmem:s9+$0x30]  }
0x8b: {  	v8 =	vld [tilespmem:s9+$0xFFFFFFC0]  }
0x8c: {  	v3 =	vld [tilespmem:s9+$0xFFFFFFE0]  }
0x8d: {  	v9 =	vld [tilespmem:s28+$0xFFFFFFC0]  }
0x8e: {  	v10 =	vld [tilespmem:s28+$0xFFFFFFF0];
	v11 =	vsub.f32 v6, v5  }
0x8f: {  	v12 =	vld [tilespmem:s9+$0xFFFFFFF0];
	v4 =	vsub.f32 v7, v4  }
0x90: {  	v13 =	vld [tilespmem:s9+$0xFFFFFFD0];
	v6 =	vshrl.u32 v11, $0x10  }
0x91: {  	v16 =	vld [tilespmem:s28+$0xFFFFFFD0];
	v7 =	vshrl.u32 v4, $0x10;
	v6 =	vand.u32 $0x7FF0, v6  }
0x92: {  	s29 =	simm.s32 $0xA040;
	v5 =	vld [tilespmem:s28+$0x10];
	v9 =	vsub.f32 v8, v9;
	v7 =	vand.u32 $0x7FF0, v7;
	v14 =	vor.u32 v1, v6  }
0x93: {  	v8 =	vld [tilespmem:s9+$0x10];
	[tilespmem:s29+$0x30] =	vst v4;
	v15 =	vor.u32 v1, v7  }
0x94: {  	[tilespmem:s29+$0xFFFFFFC0] =	vst v9;
	v4 =	vshrl.u32 v9, $0x10;
	v9 =	vld [tilespmem:s28+$0xFFFFFFE0]  }
0x95: {  	v6 =	vld [tilespmem:s9+$0x0]  }
0x96: {  	v12 =	vsub.f32 v12, v10;
	[tilespmem:s29+$0x20] =	vst v11;
	v7 =	vld [tilespmem:s28+$0x0]  }
0x97: {  	v4 =	vand.u32 $0x7FF0, v4;
	[tilespmem:v14+s20+$0x0] =	vst.idx.add.s32.msk $0xffff, v2  }
0x98: {  	s8 =	simm.s32 $0x60C0;
	s7 =	simm.s32 $0x0;
	v11 =	vsub.f32 v13, v16;
	v10 =	vshrl.u32 v12, $0x10;
	v4 =	vor.u32 v1, v4;
	s9 =	simm.s32 $0xA040;
	[tilespmem:v15+s20+$0x0] =	vst.idx.add.s32.msk $0xffff, v2  }
.LBB2_7:
0x99: {  	v13 =	vld [tilespmem:s8+$0xFFFFFFC0];
	s7 =	sadd.s32 $0x8, s7;
	[tilespmem:s29+$0xFFFFFFF0] =	vst v12;
	v10 =	vand.u32 $0x7FF0, v10;
	s28 =	sadd.s32 $0x80, s28;
	s9 =	sadd.s32 $0x80, s9  }
0x9a: {  	v5 =	vsub.f32 v8, v5;
	v12 =	vld [tilespmem:s28+$0x30];
	p0 =	slt.u32 s7, $0x1F8;
	[tilespmem:s29+$0xFFFFFFD0] =	vst v11;
	v11 =	vshrl.u32 v11, $0x10;
	v10 =	vor.u32 v1, v10  }
0x9b: {  	v6 =	vsub.f32 v6, v7;
	v8 =	vld [tilespmem:s8+$0x30];
	v11 =	vand.u32 $0x7FF0, v11;
	v9 =	vsub.f32 v3, v9  }
0x9c: {  	v7 =	vld [tilespmem:s28+$0x20];
	v11 =	vor.u32 v1, v11;
	[tilespmem:s29+$0x10] =	vst v5;
	v5 =	vshrl.u32 v5, $0x10  }
0x9d: {  	v3 =	vld [tilespmem:s8+$0xFFFFFFE0];
	v14 =	vshrl.u32 v9, $0x10;
	[tilespmem:s29+$0x0] =	vst v6;
	v6 =	vshrl.u32 v6, $0x10;
	v5 =	vand.u32 $0x7FF0, v5  }
0x9e: {  	v15 =	vld [tilespmem:s8+$0x20];
	[tilespmem:s29+$0xFFFFFFE0] =	vst v9;
	v9 =	vand.u32 $0x7FF0, v14;
	v6 =	vand.u32 $0x7FF0, v6;
	v5 =	vor.u32 v1, v5;
	s29 =	smov.u32 s9  }
0x9f: {  	v14 =	vld [tilespmem:s28+$0xFFFFFFF0];
	v9 =	vor.u32 v1, v9;
	v6 =	vor.u32 v1, v6  }
0xa0: {  	v16 =	vld [tilespmem:s28+$0xFFFFFFC0]  }
0xa1: {  	v8 =	vsub.f32 v8, v12;
	[tilespmem:v11+s20+$0x0] =	vst.idx.add.s32.msk $0xffff, v2  }
0xa2: {  	[tilespmem:v4+s20+$0x0] =	vst.idx.add.s32.msk $0xffff, v2  }
0xa3: {  	v4 =	vsub.f32 v15, v7;
	v7 =	vshrl.u32 v8, $0x10;
	[tilespmem:v5+s20+$0x0] =	vst.idx.add.s32.msk $0xffff, v2  }
0xa4: {  	v5 =	vand.u32 $0x7FF0, v7;
	[tilespmem:v9+s20+$0x0] =	vst.idx.add.s32.msk $0xffff, v2  }
0xa5: {  	v7 =	vshrl.u32 v4, $0x10;
	[tilespmem:v6+s20+$0x0] =	vst.idx.add.s32.msk $0xffff, v2  }
0xa6: {  	v11 =	vld [tilespmem:s8+$0xFFFFFFF0];
	[tilespmem:s9+$0x20] =	vst v4;
	v4 =	vand.u32 $0x7FF0, v7  }
0xa7: {  	v15 =	vor.u32 v1, v5;
	[tilespmem:v10+s20+$0x0] =	vst.idx.add.s32.msk $0xffff, v2  }
0xa8: {  	v6 =	vsub.f32 v13, v16;
	v10 =	vor.u32 v1, v4;
	v5 =	vld [tilespmem:s28+$0x10];
	[tilespmem:s9+$0x30] =	vst v8  }
0xa9: {  	v13 =	vld [tilespmem:s8+$0xFFFFFFD0]  }
0xaa: {  	v4 =	vshrl.u32 v6, $0x10;
	[tilespmem:s9+$0xFFFFFFC0] =	vst v6;
	v6 =	vld [tilespmem:s8+$0x0]  }
0xab: {  	v4 =	vand.u32 $0x7FF0, v4;
	v16 =	vld [tilespmem:s28+$0xFFFFFFD0]  }
.Ltmp4:
0xac: {  	v4 =	vor.u32 v1, v4;
	v8 =	vld [tilespmem:s8+$0x10];
	(pc) =	sbr.rel @p0 .LBB2_7-.Ltmp4, $4  }
0xad: {  	v7 =	vld [tilespmem:s28+$0x0]  }
0xae: {  	v12 =	vsub.f32 v11, v14;
	v9 =	vld [tilespmem:s28+$0xFFFFFFE0]  }
0xaf: {  	[tilespmem:v10+s20+$0x0] =	vst.idx.add.s32.msk $0xffff, v2  }
0xb0: {  	s8 =	sadd.s32 $0x80, s8;
	v10 =	vshrl.u32 v12, $0x10;
	v11 =	vsub.f32 v13, v16;
	[tilespmem:v15+s20+$0x0] =	vst.idx.add.s32.msk $0xffff, v2  }
0xb1: {  	_ =	sdelay $0x1  }
0xb2: {  	v5 =	vsub.f32 v8, v5;
	v62 =	vand.u32 $0x7FF0, v10  }
0xb3: {  	[tilespmem:s29+$0xFFFFFFF0] =	vst v12;
	v57 =	vshrl.u32 v11, $0x10;
	v6 =	vsub.f32 v6, v7;
	v63 =	vor.u32 v1, v62  }
0xb4: {  	[tilespmem:v4+s20+$0x0] =	vst.idx.add.s32.msk $0xffff, v2;
	v8 =	vand.u32 $0x7FF0, v57;
	v3 =	vsub.f32 v3, v9;
	v59 =	vshrl.u32 v5, $0x10  }
0xb5: {  	[tilespmem:s29+$0xFFFFFFD0] =	vst v11;
	v58 =	vor.u32 v1, v8;
	v8 =	vand.u32 $0x7FF0, v59;
	v60 =	vshrl.u32 v6, $0x10  }
0xb6: {  	[tilespmem:s29+$0x10] =	vst v5;
	v9 =	vshrl.u32 v3, $0x10;
	v8 =	vor.u32 v1, v8;
	v5 =	vand.u32 $0x7FF0, v60  }
0xb7: {  	[tilespmem:s29+$0xFFFFFFE0] =	vst v3;
	v9 =	vand.u32 $0x7FF0, v9;
	v3 =	vor.u32 v1, v5  }
0xb8: {  	[tilespmem:s29+$0x0] =	vst v6;
	v61 =	vor.u32 v1, v9  }
0xb9: {  	[tilespmem:v63+s20+$0x0] =	vst.idx.add.s32.msk $0xffff, v2  }
.Ltmp5:
0xba: {  	[tilespmem:v58+s20+$0x0] =	vst.idx.add.s32.msk $0xffff, v2;
	(pc) =	sbr.rel @p1 .LBB2_10-.Ltmp5, $4  }
0xbb: {  	[tilespmem:v8+s20+$0x0] =	vst.idx.add.s32.msk $0xffff, v2  }
0xbc: {  	s7 =	sadd.s32 s15, s3;
	[tilespmem:v3+s20+$0x0] =	vst.idx.add.s32.msk $0xffff, v2  }
0xbd: {  	s7 =	sadd.s32 $0x400, s7;
	[tilespmem:v61+s20+$0x0] =	vst.idx.add.s32.msk $0xffff, v2  }
0xbe: {  	[hbm4b:s7+s5] =	stream.linear.scatter [tilespmem:s24], [sflag:$0x6], $0x2000, $0x38;
	[tilespmem:$0x14000] =	vst v63  }
0xbf: {  	s4 =	sadd.s32 s4, s12  }
.Ltmp6:
0xc0: {  	s4 =	sshrl.u32 s4, $0x3;
	(pc) =	sbr.rel .LBB2_4-.Ltmp6, $4  }
0xc1: {  	s7 =	sadd.s32 s1, s4  }
0xc2: {  	[tilespmem:s16], [sflag:$0x2] =	stream.linear.gather [hbm4b:s7+s5], $0x2000, $0x38;
	[tilespmem:$0x14000] =	vst v63  }
0xc3: {  	s0 =	sadd.s32 $0x1, s0;
	s4 =	sadd.s32 s2, s4  }
0xc4: {  	[tilespmem:s17], [sflag:$0x4] =	stream.linear.gather [hbm4b:s4+s5], $0x2000, $0x38;
	[tilespmem:$0x14000] =	vst v63  }
.LBB2_11:
0xc5: {  	_ =	sfence.sel $0x180000  }
0xc6: {  	[bflag:$0x0] =	sbarrier.arrive $0xFFFF  }
0xc7: {  	_ =	strace $0x90000047  }
0xc8: {  	s0 =	stileid.u32;
	[bflag:$0x2] =	sbarrier.arrive $0xFFFF  }
0xc9: {  	p0 =	sne.s32 s0, $0x0;
	s0 =	rddreg [dreg:$0x4]  }
0xca: {  	s0 =	sadd.s32 @!p0 $0x100000, s0  }
0xcb: {  	[sflag:s0] =	ssyncadd.tile.s32 @!p0 $0x1;
	_ =	shalt  }
.Lfunc_end2:
_tile_overlayer_lowered:
.L_overlay_start_2:
0xcc: {  	(tag) =	ssettag $0x2  }
0xcd: {  	s0 =	rddreg [dreg:$0x0];
	s2 =	stileid.u32  }
0xce: {  	s1 =	rddreg [dreg:$0x1];
	p0 =	sne.s32 s2, $0x0  }
0xcf: {  	s3 =	rddreg [dreg:$0x2];
	[bflag:$0x3] =	sbarrier.arrive $0xFFFF;
	s2 =	simm.s32 @!p0 $0x1C07  }
0xd0: {  	[timem:s3], [sflag:s2] =	dma.local @!p0 [hbm:s0], s1  }
0xd1: {  	s0 =	simm.s32 @!p0 $0x7  }
0xd2: {  	_ =	swait.ge @!p0 [sflag:s0], s1  }
0xd3: {  	s1 =	ssub.s32 @!p0 $0x0, s1;
	[sflag:s0] =	ssyncset.done @!p0 $0x0  }
0xd4: {  	[sflag:s0] =	ssyncadd.s32 @!p0 s1  }
0xd5: {  	[bflag:$0x3] =	sbarrier.arrive $0xFFFF  }
0xd6: {  	_ =	shalt  }

// kernel: kernel.9.cloned.1.call-start
scs
__scs_entry_jumppad:
0x0: {  	(pc) =	sbr.rel $0x88, $3  }
0x1: {  	(tag) =	ssettag $0x0;
	lr =	simm.s32 $0x1  }
0x2: {  	[smem:$0x3F9F] =	sst lr;
	_ =	strace $0xD0000000  }
0x3: {  	_ = 	snop  }
0x4: {  	_ = 	snop  }
0x5: {  	_ = 	snop  }
0x6: {  	_ = 	snop  }
0x7: {  	_ = 	snop  }
__scs_overlays_trampoline_lowered:
0x8: {  	[smem:$0x3FAE] =	sst s0  }
0x9: {  	[smem:$0x3FAF] =	sst s1  }
0xa: {  	[smem:$0x3FB0] =	sst s2  }
0xb: {  	[smem:$0x3FB1] =	sst s3  }
0xc: {  	[smem:$0x3FB2] =	sst s4  }
0xd: {  	[smem:$0x3FB3] =	sst s5  }
0xe: {  	[smem:$0x3FB4] =	sst s6  }
0xf: {  	[smem:$0x3FB5] =	sst s7  }
0x10: {  	[smem:$0x3FB6] =	sst s8  }
0x11: {  	[smem:$0x3FB7] =	sst s9;
	s0 =	simm.s32 @!p0 $0x0  }
0x12: {  	s1 =	sld [smem:$0x3F9D];
	s0 =	simm.s32 @p0 $0x1  }
0x13: {  	[smem:$0x3FB8] =	sst s0;
	s0 =	simm.s32 @!p1 $0x0  }
0x14: {  	s2 =	sld [smem:$0x3F9C];
	s0 =	simm.s32 @p1 $0x1  }
0x15: {  	[smem:$0x3FB9] =	sst s0;
	s0 =	simm.s32 @!p2 $0x0  }
0x16: {  	s3 =	sld [smem:$0x3FDB];
	s0 =	simm.s32 @p2 $0x1  }
0x17: {  	s4 =	simm.s32 $0x1BF5;
	[smem:$0x3FBB] =	sst s0  }
0x18: {  	s0 =	sld [smem:$0x3F9E];
	_ =	swait.ge [sflag:s4], $0x0  }
0x19: {  	s7 =	sld [smem:$0x3F9F]  }
0x1a: {  	s8 =	sadd.s32 $0xFFFFE003, lr  }
0x1b: {  	s9 =	sadd.s32 $0xFFFFFEF7, lr;
	s5 =	simm.s32 $0xFFFFFFFF;
	p2 =	slt.u32 s8, $0xFFFFF086  }
0x1c: {  	p1 =	slt.u32 s9, $0xF7A;
	s5 =	simm.s32 @!p2 $0x0  }
0x1d: {  	s5 =	simm.s32 @p1 $0x1;
	p0 =	seq.s32 s7, s2  }
0x1e: {  	s7 =	smul.u32 @!p0 $0xF7A, s2;
	p2 =	seq.s32 @!p0 s5, $0x0  }
0x1f: {  	s9 =	smul.u32 $0xF7A, s1;
	s8 =	simm.s32 @!p0 $0x1BF5;
	p2 =	por !p2, p0  }
0x20: {  	[sflag:s8] =	ssyncset.s32 @!p0 $0xFFFFF086;
	s6 =	sadd.s32 @!p0 s3, s7;
	s7 =	simm.s32 @!p0 $0x108  }
0x21: {  	s3 =	sadd.s32 s3, s9;
	s6 =	sadd.s32 @!p0 $0x88, s6;
	s7 =	simm.s32 @p2 $0x1082  }
0x22: {  	[simem:s7], [sflag:s8] =	dma.local @!p0 [hbm:s6], $0xF7A  }
0x23: {  	s9 =	sor.u32 $0xD0000000, s2;
	s6 =	simm.s32 $0x108;
	_ =	swait.ge @!p0 [sflag:s8], $0x0  }
0x24: {  	s3 =	sadd.s32 $0x88, s3;
	s6 =	simm.s32 @!p1 $0x1082;
	[sflag:s4] =	ssyncset.s32 $0xFFFFF086  }
0x25: {  	[simem:s6], [sflag:s4] =	dma.local [hbm:s3], $0xF7A  }
0x26: {  	[smem:$0x3F9F] =	sst s1;
	(tag) =	ssettag s2;
	_ =	strace s9  }
0x27: {  	s1 =	sld [smem:$0x3FAF]  }
0x28: {  	s2 =	sld [smem:$0x3FB0]  }
0x29: {  	s4 =	sld [smem:$0x3FB2]  }
0x2a: {  	p0 =	seq.s32 s5, $0x0;
	s5 =	sld [smem:$0x3FB3]  }
0x2b: {  	s6 =	sld [smem:$0x3FB4]  }
0x2c: {  	s7 =	sld [smem:$0x3FB5]  }
0x2d: {  	s3 =	simm.s32 $0x108;
	s8 =	sld [smem:$0x3FB6]  }
0x2e: {  	s3 =	simm.s32 @!p0 $0x1082;
	s9 =	sld [smem:$0x3FB7]  }
0x2f: {  	lr =	sadd.s32 s0, s3;
	s0 =	sld [smem:$0x3FAE]  }
0x30: {  	s3 =	sld [smem:$0x3FB1]  }
0x31: {  	[smem:$0x3FBA] =	sst s10  }
0x32: {  	s10 =	sld [smem:$0x3FB8];
	_ =	sdelay $0x3  }
0x33: {  	p0 =	seq.s32 s10, $0x1;
	s10 =	sld [smem:$0x3FBA];
	_ =	sdelay $0x3  }
0x34: {  	[smem:$0x3FBA] =	sst s10  }
0x35: {  	s10 =	sld [smem:$0x3FB9];
	_ =	sdelay $0x3  }
0x36: {  	p1 =	seq.s32 s10, $0x1;
	s10 =	sld [smem:$0x3FBA];
	_ =	sdelay $0x3  }
0x37: {  	[smem:$0x3FBA] =	sst s10  }
0x38: {  	s10 =	sld [smem:$0x3FBB]  }
0x39: {  	_ = 	snop;
	(pc) =	sbr.ind lr, $3  }
0x3a: {  	_ = 	snop  }
0x3b: {  	_ = 	snop  }
0x3c: {  	p2 =	seq.s32 s10, $0x1;
	s10 =	sld [smem:$0x3FBA]  }
0x3d: {  	_ =	shalt  }
0x3e: {  	_ =	shalt  }
0x3f: {  	_ =	shalt  }
0x40: {  	_ =	shalt  }
0x41: {  	_ =	shalt  }
0x42: {  	_ =	shalt  }
0x43: {  	_ =	shalt  }
0x44: {  	_ =	shalt  }
0x45: {  	_ =	shalt  }
0x46: {  	_ =	shalt  }
0x47: {  	_ =	shalt  }
0x48: {  	_ =	shalt  }
0x49: {  	_ =	shalt  }
0x4a: {  	_ =	shalt  }
0x4b: {  	_ =	shalt  }
0x4c: {  	_ =	shalt  }
0x4d: {  	_ =	shalt  }
0x4e: {  	_ =	shalt  }
0x4f: {  	_ =	shalt  }
0x50: {  	_ =	shalt  }
0x51: {  	_ =	shalt  }
0x52: {  	_ =	shalt  }
0x53: {  	_ =	shalt  }
0x54: {  	_ =	shalt  }
0x55: {  	_ =	shalt  }
0x56: {  	_ =	shalt  }
0x57: {  	_ =	shalt  }
0x58: {  	_ =	shalt  }
0x59: {  	_ =	shalt  }
0x5a: {  	_ =	shalt  }
0x5b: {  	_ =	shalt  }
0x5c: {  	_ =	shalt  }
0x5d: {  	_ =	shalt  }
0x5e: {  	_ =	shalt  }
0x5f: {  	_ =	shalt  }
0x60: {  	_ =	shalt  }
0x61: {  	_ =	shalt  }
0x62: {  	_ =	shalt  }
0x63: {  	_ =	shalt  }
0x64: {  	_ =	shalt  }
0x65: {  	_ =	shalt  }
0x66: {  	_ =	shalt  }
0x67: {  	_ =	shalt  }
0x68: {  	_ =	shalt  }
0x69: {  	_ =	shalt  }
0x6a: {  	_ =	shalt  }
0x6b: {  	_ =	shalt  }
0x6c: {  	_ =	shalt  }
0x6d: {  	_ =	shalt  }
0x6e: {  	_ =	shalt  }
0x6f: {  	_ =	shalt  }
0x70: {  	_ =	shalt  }
0x71: {  	_ =	shalt  }
0x72: {  	_ =	shalt  }
0x73: {  	_ =	shalt  }
0x74: {  	_ =	shalt  }
0x75: {  	_ =	shalt  }
0x76: {  	_ =	shalt  }
0x77: {  	_ =	shalt  }
0x78: {  	_ =	shalt  }
0x79: {  	_ =	shalt  }
0x7a: {  	_ =	shalt  }
0x7b: {  	_ =	shalt  }
0x7c: {  	_ =	shalt  }
0x7d: {  	_ =	shalt  }
0x7e: {  	_ =	shalt  }
0x7f: {  	_ =	shalt  }
0x80: {  	_ =	shalt  }
0x81: {  	_ =	shalt  }
0x82: {  	_ =	shalt  }
0x83: {  	_ =	shalt  }
0x84: {  	_ =	shalt  }
0x85: {  	_ =	shalt  }
0x86: {  	_ =	shalt  }
0x87: {  	_ =	shalt  }
.Lfunc_end0:
.L_simem_size_0:
called_computation.1_lowered:
.L_overlay_start_0:
0x88: {  	s2 =	sld [smem:$0x3FD9]  }
0x89: {  	s3 =	sld [smem:$0x3FFE];
	_ =	sdelay $0x1  }
0x8a: {  	s1 =	srdreg.scid  }
0x8b: {  	s0 =	sand.u32 $0x1, s1  }
0x8c: {  	s14 =	sshll.u32 s0, $0xA;
	s2 =	sadd.s32 s3, s2  }
0x8d: {  	s2 =	sadd.s32 s2, s14  }
0x8e: {  	[smem:$0x3FC6] =	sst s2  }
0x8f: {  	_ = 	snop  }
0x90: {  	s2 =	sld [smem:$0x3FD0];
	_ =	sdelay $0x2  }
0x91: {  	s15 =	simm.s32 $0xA;
	s4 =	simm.s32 $0x10  }
0x92: {  	[smem:s4], [sflag:s15] =	dma.local [hbm:s2], $0x1  }
0x93: {  	_ =	swait.eq [sflag:s15], $0x1  }
0x94: {  	[sflag:s15] =	ssyncset.done $0x0  }
0x95: {  	[sflag:s15] =	ssyncadd.s32 $0xFFFFFFFF  }
0x96: {  	s16 =	sld [smem:$0x10];
	(tm) =	ssettm $0x1  }
0x97: {  	s17 =	sld [smem:$0x3FFB];
	_ =	sdelay $0x3  }
0x98: {  	_ =	strace s17  }
0x99: {  	s3 =	sld [smem:$0x3FFC];
	_ =	sdelay $0x3  }
0x9a: {  	_ =	strace s3  }
0x9b: {  	s3 =	sld [smem:$0x3FFD];
	_ =	sdelay $0x3  }
0x9c: {  	_ =	strace s3  }
0x9d: {  	_ =	strace $0x8FFFFFFF  }
0x9e: {  	s18 =	sld [smem:$0x3FDB];
	_ =	sdelay $0x1  }
0x9f: {  	s19 =	simm.s32 $_scs_section_size  }
0xa0: {  	s5 =	simm.s32 $_size__tile_overlayer_lowered;
	s6 =	simm.s32 $_tile_overlayer_lowered  }
0xa1: {  	s22 =	simm.s32 $0x1BFF;
	s21 =	sshll.u32 s6, $0x1;
	s3 =	sadd.s32 s19, s18  }
0xa2: {  	s7 =	simm.s32 $0x0;
	s20 =	sshll.u32 s5, $0x1;
	s5 =	sadd.s32 s21, s3  }
0xa3: {  	[timem:s7], [sflag:s22] =	dma.local [hbm:s5], s20  }
0xa4: {  	_ =	swait.ge [sflag:s22], s20  }
0xa5: {  	s4 =	ssub.s32 $0x0, s20;
	[sflag:s22] =	ssyncset.done $0x0  }
0xa6: {  	[sflag:s22] =	ssyncadd.s32 s4;
	_ =	sdelay $0x1  }
0xa7: {  	s23 =	simm.s32 $0x1B8B  }
0xa8: {  	_ =	swait.ge [sflag:s23], $0x1  }
0xa9: {  	[sflag:s23] =	ssyncset.done $0x0  }
0xaa: {  	s25 =	simm.s32 $0x1B8E;
	s24 =	sld [smem:$0x3FFE];
	[sflag:s23] =	ssyncadd.s32 $0xFFFFFFFF  }
0xab: {  	s26 =	simm.s32 $execute0_lowered;
	[smem:$0x3FD2] =	sst s25  }
0xac: {  	s5 =	sshll.u32 s26, $0x1;
	_ =	strace $0x80000049;
	[dreg:$0x1] =	wrdreg $0xFFFFFFFF  }
0xad: {  	s28 =	simm.s32 $_size_execute0_lowered;
	s3 =	sadd.s32 s3, s5;
	[dreg:$0x0] =	wrdreg $0x0  }
0xae: {  	s5 =	sshll.u32 s28, $0x1;
	[dreg:$0x2] =	wrdreg s3  }
0xaf: {  	[dreg:$0x3] =	wrdreg s5  }
0xb0: {  	[dreg:$0x4] =	wrdreg $0xC0  }
0xb1: {  	_ =	task [dreg:s7], $0x5FFFF  }
0xb2: {  	[dreg:$0x1] =	wrdreg $0xFFFFFFFF  }
0xb3: {  	[dreg:$0x0] =	wrdreg $0x60  }
0xb4: {  	[dreg:$0x2] =	wrdreg s24  }
0xb5: {  	[dreg:$0x3] =	wrdreg s16  }
0xb6: {  	[dreg:$0x4] =	wrdreg $0x9  }
0xb7: {  	_ =	task.clear_ibuf [dreg:s7], $0x5FFFF;
	_ =	strace $0x90000049  }
0xb8: {  	s29 =	simm.s32 $0x9;
	_ =	strace $0x8000004B  }
0xb9: {  	_ =	swait.ge [sflag:s29], $0x1  }
0xba: {  	[sflag:s29] =	ssyncadd.s32 $0xFFFFFFFF  }
0xbb: {  	_ =	strace $0x9000004B  }
0xbc: {  	_ =	sfence  }
0xbd: {  	s30 =	sld [smem:$0x0];
	_ =	sdelay $0x2  }
0xbe: {  	s31 =	sshll.u32 s1, $0xD;
	s1 =	sshrl.u32 s1, $0x2  }
0xbf: {  	s3 =	sand.u32 $0x4000, s31;
	s1 =	sadd.s32 s1, s30  }
0xc0: {  	s0 =	sor.u32 s3, s0;
	s1 =	sshll.u32 s1, $0x11  }
0xc1: {  	s0 =	sor.u32 s1, s0  }
0xc2: {  	s0 =	sadd.s32 $0x8F2B, s0  }
0xc3: {  	[sflag:s0] =	ssyncadd.remote.s32 $0x1  }
0xc4: {  	_ =	sfence.sel $0xFFFF  }
0xc5: {  	[dreg:$0x0] =	wrdreg $0xFFFFFFFF;
	(pc) =	sbr.abs _section_cstart, $3  }
0xc6: {  	[dreg:$0x1] =	wrdreg $0xFFFFFFFF  }
0xc7: {  	_ =	task.clear_ibuf [dreg:s7], $0x2FFFF;
	_ =	strace $0x9FFFFFFF  }
0xc8: {  	(tm) =	ssettm $0x7FFFFFFF  }
0xc9: {  	_ =	shalt  }
tec
execute0_lowered:
.L_overlay_start_1:
0x0: {  	(tag) =	ssettag $0x1  }
0x1: {  	s1 =	rddreg [dreg:$0x0]  }
0x2: {  	s8 =	rddreg [dreg:$0x1]  }
0x3: {  	s0 =	rddreg [dreg:$0x2];
	s4 =	srdreg.scid;
	s3 =	simm.s32 $0x0  }
0x4: {  	s2 =	stileid.u32;
	s13 =	simm.s32 $0x8000;
	s14 =	simm.s32 $0x1  }
0x5: {  	s15 =	simm.s32 $0x10080;
	s16 =	simm.s32 $0x2;
	s17 =	simm.s32 $0x80  }
0x6: {  	s18 =	simm.s32 $0x400;
	s19 =	simm.s32 $0x0;
	s4 =	sand.u32 $0x1, s4  }
0x7: {  	[smem:$0x7FF] =	sst s3;
	s6 =	sshll.u32 s2, $0x1;
	s31 =	sshll.u32 s2, $0xC  }
0x8: {  	s5 =	ssub.s32 $0x2, s4;
	_ =	strace $0x8000004A;
	s9 =	sor.u32 s4, s6  }
0x9: {  	s4 =	sadd.s32 $0x200000, s1;
	s12 =	sand.u32 $0xC000, s31;
	s7 =	sshrl.u32 s5, $0x1  }
.Ltmp0:
0xa: {  	s30 =	sshll.u32 s9, $0x10;
	s11 =	sshll.u32 s9, $0x13;
	(pc) =	sbr.rel .LBB2_1-.Ltmp0, $4  }
0xb: {  	s9 =	sshll.u32 s9, $0x4;
	s12 =	sadd.s32 s8, s12;
	s10 =	ssub.s32 s5, s7  }
0xc: {  	s5 =	sadd.s32 s1, s30;
	s7 =	sor.u32 $0x10000, s11;
	s9 =	sand.u32 $0x70, s9  }
0xd: {  	s8 =	sor.u32 $0x18000, s11;
	s11 =	simm.s32 $0x10000;
	s6 =	sadd.s32 $0x1000, s5  }
0xe: {  	v0 =	vimm.s32 $0x0;
	v1 =	vlaneseq.u32;
	v2 =	vimm.s32 $0x1;
	s9 =	sadd.s32 s9, s12;
	s10 =	smax.u32 s10, $0x1;
	s12 =	simm.s32 $0x3  }
.LBB2_10:
0xf: {  	s19 =	sadd.s32 $0x1, s19  }
0x10: {  	p0 =	sne.s32 s19, s10  }
.Ltmp1:
0x11: {  	_ = 	snop;
	(pc) =	sbr.rel @!p0 .LBB2_11-.Ltmp1, $4  }
0x12: {  	[hbm4b:s9+s17] =	stream.strided.scatter [tilespmem:s15], [sflag:$0x3], $0x4000, s18, s17, $0x38;
	[tilespmem:$0x14080] =	vst v63  }
0x13: {  	_ =	swait.ge [sflag:s12], $0x4000  }
0x14: {  	[sflag:s12] =	ssyncset.done $0x0  }
0x15: {  	[sflag:s12] =	ssyncadd.s32 $0xFFFFC000  }
.LBB2_1:
0x16: {  	s20 =	simm.s32 $0x100C0  }
0x17: {  	[tilespmem:s20+$0xFFFFFFC0] =	vst v0  }
0x18: {  	[tilespmem:s20+$0x30] =	vst v0  }
0x19: {  	[tilespmem:s20+$0x20] =	vst v0  }
0x1a: {  	[tilespmem:s20+$0x10] =	vst v0  }
0x1b: {  	[tilespmem:s20+$0x0] =	vst v0  }
0x1c: {  	[tilespmem:s20+$0xFFFFFFF0] =	vst v0  }
0x1d: {  	s21 =	simm.s32 $0x0;
	[tilespmem:s20+$0xFFFFFFE0] =	vst v0  }
.LBB2_2:
0x1e: {  	s21 =	sadd.s32 $0x8, s21;
	[tilespmem:s20+$0xFFFFFFD0] =	vst v0;
	s20 =	sadd.s32 $0x80, s20  }
0x1f: {  	[tilespmem:s20+$0xFFFFFFC0] =	vst v0;
	p0 =	slt.u32 s21, $0x3F8  }
0x20: {  	[tilespmem:s20+$0x30] =	vst v0  }
.Ltmp2:
0x21: {  	[tilespmem:s20+$0x20] =	vst v0;
	(pc) =	sbr.rel @p0 .LBB2_2-.Ltmp2, $4  }
0x22: {  	[tilespmem:s20+$0x10] =	vst v0  }
0x23: {  	[tilespmem:s20+$0x0] =	vst v0  }
0x24: {  	[tilespmem:s20+$0xFFFFFFF0] =	vst v0  }
0x25: {  	[tilespmem:s20+$0xFFFFFFE0] =	vst v0  }
0x26: {  	[tilespmem:s20+$0xFFFFFFD0] =	vst v0;
	s20 =	simm.s32 $0x0  }
0x27: {  	[tilespmem:s11], [sflag:$0x3] =	stream.linear.gather [hbm4b:s4+s20], $0x80, $0x38;
	[tilespmem:$0x14080] =	vst v63  }
0x28: {  	_ =	swait.ge [sflag:s12], $0x80  }
0x29: {  	[sflag:s12] =	ssyncset.done $0x0  }
0x2a: {  	[sflag:s12] =	ssyncadd.s32 $0xFFFFFF80  }
0x2b: {  	v3 =	vld [tilespmem:$0x10000]  }
0x2c: {  	[tilespmem:s20], [sflag:$0x1] =	stream.linear.gather [hbm4b:s5+s20], $0x8000, $0x38;
	[tilespmem:$0x14080] =	vst v63  }
0x2d: {  	_ = 	snop  }
0x2e: {  	[tilespmem:s13], [sflag:$0x2] =	stream.linear.gather [hbm4b:s6+s20], $0x8000, $0x38;
	[tilespmem:$0x14080] =	vst v63  }
.LBB2_4:
0x2f: {  	_ =	swait.ge [sflag:s14], $0x8000  }
0x30: {  	[sflag:s14] =	ssyncset.done $0x0  }
0x31: {  	s21 =	simm.s32 $0x40;
	[sflag:s14] =	ssyncadd.s32 $0xFFFF8000  }
0x32: {  	v4 =	vld [tilespmem:s21+$0x30]  }
0x33: {  	v5 =	vld [tilespmem:s21+$0xFFFFFFD0]  }
0x34: {  	v6 =	vld [tilespmem:s21+$0xFFFFFFE0]  }
0x35: {  	v7 =	vld [tilespmem:s21+$0xFFFFFFF0]  }
0x36: {  	v8 =	vld [tilespmem:s21+$0x0]  }
0x37: {  	v9 =	vld [tilespmem:s21+$0x10]  }
0x38: {  	v12 =	vld [tilespmem:s21+$0x20];
	v10 =	vshrl.u32 v4, $0x14  }
0x39: {  	v13 =	vld [tilespmem:s21+$0xFFFFFFC0];
	v11 =	vshrl.u32 v5, $0x14;
	v4 =	vshrl.u32 v4, $0x6;
	v14 =	vshrl.u32 v6, $0x14  }
0x3a: {  	v15 =	vshrl.u32 v5, $0x6;
	v17 =	vshrl.u32 v7, $0x14;
	v19 =	vshrl.u32 v6, $0x6  }
0x3b: {  	v20 =	vshrl.u32 v7, $0x6;
	v21 =	vshrl.u32 v8, $0x14;
	v10 =	vand.u32 $0x7FF, v10  }
0x3c: {  	v5 =	vshrl.u32 v9, $0x6;
	v4 =	vand.u32 $0x3FF0, v4;
	vm0 =	veq.s32 v10, v3  }
0x3d: {  	v22 =	vshrl.u32 v12, $0x14;
	v6 =	vshrl.u32 v12, $0x6;
	v18 =	vor.u32 v1, v4  }
0x3e: {  	v12 =	vshrl.u32 v13, $0x6;
	v7 =	vand.u32 $0x7FF, v11;
	v11 =	vand.u32 $0x7FF, v17  }
0x3f: {  	v17 =	vand.u32 $0x3FF0, v15;
	v15 =	vand.u32 $0x3FF0, v19;
	v4 =	vshrl.u32 v8, $0x6  }
0x40: {  	v8 =	vshrl.u32 v9, $0x14;
	v9 =	vshrl.u32 v13, $0x14;
	v10 =	vand.u32 $0x7FF, v14  }
0x41: {  	v13 =	vand.u32 $0x3FF0, v12;
	v14 =	vand.u32 $0x3FF0, v20;
	v16 =	vand.u32 $0x7FF, v9  }
0x42: {  	s22 =	simm.s32 $0xC0;
	s21 =	simm.s32 $0x0;
	v9 =	vand.u32 $0x7FF, v21;
	v12 =	vand.u32 $0x7FF, v8;
	v8 =	vand.u32 $0x7FF, v22;
	[tilespmem:v18+s15+$0x0] =	vst.idx.add.s32.msk vm0, v2  }
.LBB2_5:
0x43: {  	v18 =	vld [tilespmem:s22+$0x30];
	s21 =	sadd.s32 $0x8, s21;
	v4 =	vand.u32 $0x3FF0, v4;
	v5 =	vand.u32 $0x3FF0, v5;
	v6 =	vand.u32 $0x3FF0, v6  }
0x44: {  	vm6 =	veq.s32 v16, v3;
	vm5 =	veq.s32 v7, v3;
	vm4 =	veq.s32 v10, v3;
	v19 =	vld [tilespmem:s22+$0xFFFFFFD0];
	p0 =	slt.u32 s21, $0x7F8  }
0x45: {  	vm3 =	veq.s32 v11, v3;
	vm2 =	veq.s32 v9, v3;
	vm1 =	veq.s32 v12, v3;
	v7 =	vld [tilespmem:s22+$0xFFFFFFE0]  }
0x46: {  	v10 =	vor.u32 v1, v13;
	v11 =	vor.u32 v1, v17;
	vm0 =	veq.s32 v8, v3;
	v9 =	vld [tilespmem:s22+$0xFFFFFFF0]  }
0x47: {  	v12 =	vor.u32 v1, v15;
	v13 =	vor.u32 v1, v14;
	v14 =	vor.u32 v1, v4;
	v8 =	vld [tilespmem:s22+$0x0]  }
0x48: {  	v17 =	vor.u32 v1, v5;
	v20 =	vor.u32 v1, v6;
	v15 =	vld [tilespmem:s22+$0x10];
	v4 =	vshrl.u32 v18, $0x14  }
0x49: {  	v5 =	vshrl.u32 v18, $0x6;
	v6 =	vshrl.u32 v19, $0x14;
	v16 =	vld [tilespmem:s22+$0x20];
	v4 =	vand.u32 $0x7FF, v4  }
0x4a: {  	v18 =	vld [tilespmem:s22+$0xFFFFFFC0];
	v21 =	vshrl.u32 v7, $0x14;
	vm7 =	veq.s32 v4, v3;
	v4 =	vand.u32 $0x3FF0, v5  }
0x4b: {  	v19 =	vshrl.u32 v19, $0x6;
	v22 =	vshrl.u32 v9, $0x14;
	v23 =	vor.u32 v1, v4;
	[tilespmem:v10+s15+$0x0] =	vst.idx.add.s32.msk vm6, v2  }
0x4c: {  	v24 =	vshrl.u32 v7, $0x6;
	v25 =	vshrl.u32 v9, $0x6;
	v9 =	vshrl.u32 v8, $0x14;
	[tilespmem:v11+s15+$0x0] =	vst.idx.add.s32.msk vm5, v2  }
0x4d: {  	v4 =	vshrl.u32 v8, $0x6;
	v8 =	vshrl.u32 v15, $0x14;
	v5 =	vshrl.u32 v15, $0x6;
	[tilespmem:v12+s15+$0x0] =	vst.idx.add.s32.msk vm4, v2  }
.Ltmp3:
0x4e: {  	v7 =	vand.u32 $0x7FF, v6;
	v15 =	vshrl.u32 v16, $0x14;
	v6 =	vshrl.u32 v16, $0x6;
	[tilespmem:v13+s15+$0x0] =	vst.idx.add.s32.msk vm3, v2;
	(pc) =	sbr.rel @p0 .LBB2_5-.Ltmp3, $4  }
0x4f: {  	v10 =	vand.u32 $0x7FF, v21;
	v11 =	vshrl.u32 v18, $0x14;
	v12 =	vshrl.u32 v18, $0x6;
	[tilespmem:v14+s15+$0x0] =	vst.idx.add.s32.msk vm2, v2  }
0x50: {  	v9 =	vand.u32 $0x7FF, v9;
	v16 =	vand.u32 $0x7FF, v11;
	v11 =	vand.u32 $0x7FF, v22;
	[tilespmem:v23+s15+$0x0] =	vst.idx.add.s32.msk vm7, v2  }
0x51: {  	v13 =	vand.u32 $0x3FF0, v12;
	v12 =	vand.u32 $0x7FF, v8;
	v8 =	vand.u32 $0x7FF, v15;
	[tilespmem:v17+s15+$0x0] =	vst.idx.add.s32.msk vm1, v2  }
0x52: {  	s22 =	sadd.s32 $0x80, s22;
	v14 =	vand.u32 $0x3FF0, v25;
	v15 =	vand.u32 $0x3FF0, v24;
	v17 =	vand.u32 $0x3FF0, v19;
	[tilespmem:v20+s15+$0x0] =	vst.idx.add.s32.msk vm0, v2  }
0x53: {  	vm0 =	veq.s32 v16, v3  }
0x54: {  	vm1 =	veq.s32 v7, v3;
	v7 =	vor.u32 v1, v13  }
0x55: {  	vm2 =	veq.s32 v10, v3;
	v10 =	vor.u32 v1, v17  }
0x56: {  	vm3 =	veq.s32 v11, v3;
	v11 =	vor.u32 v1, v15  }
0x57: {  	v4 =	vand.u32 $0x3FF0, v4;
	vm4 =	veq.s32 v9, v3;
	v9 =	vor.u32 v1, v14  }
0x58: {  	v5 =	vand.u32 $0x3FF0, v5;
	vm5 =	veq.s32 v12, v3;
	v4 =	vor.u32 v1, v4  }
0x59: {  	v6 =	vand.u32 $0x3FF0, v6;
	vm6 =	veq.s32 v8, v3;
	v5 =	vor.u32 v1, v5;
	[tilespmem:v7+s15+$0x0] =	vst.idx.add.s32.msk vm0, v2  }
0x5a: {  	v6 =	vor.u32 v1, v6;
	[tilespmem:v10+s15+$0x0] =	vst.idx.add.s32.msk vm1, v2  }
0x5b: {  	[tilespmem:v11+s15+$0x0] =	vst.idx.add.s32.msk vm2, v2  }
0x5c: {  	s21 =	sshll.u32 s20, $0x10;
	p0 =	seq.s32 s20, $0x7;
	[tilespmem:v9+s15+$0x0] =	vst.idx.add.s32.msk vm3, v2  }
0x5d: {  	s22 =	sadd.s32 @!p0 s21, s7;
	[tilespmem:v4+s15+$0x0] =	vst.idx.add.s32.msk vm4, v2  }
0x5e: {  	s22 =	sshrl.u32 @!p0 s22, $0x3;
	[tilespmem:v5+s15+$0x0] =	vst.idx.add.s32.msk vm5, v2  }
0x5f: {  	s23 =	simm.s32 @!p0 $0x0;
	s22 =	sadd.s32 @!p0 s1, s22;
	[tilespmem:v6+s15+$0x0] =	vst.idx.add.s32.msk vm6, v2  }
0x60: {  	[tilespmem:s23], [sflag:$0x1] =	stream.linear.gather @!p0 [hbm4b:s22+s23], $0x8000, $0x38;
	[tilespmem:$0x14080] =	vst v63  }
0x61: {  	_ =	swait.ge [sflag:s16], $0x8000  }
0x62: {  	[sflag:s16] =	ssyncset.done $0x0  }
0x63: {  	s31 =	simm.s32 $0x8040;
	[sflag:s16] =	ssyncadd.s32 $0xFFFF8000  }
0x64: {  	v4 =	vld [tilespmem:s31+$0x30]  }
0x65: {  	v5 =	vld [tilespmem:s31+$0xFFFFFFD0]  }
0x66: {  	v6 =	vld [tilespmem:s31+$0xFFFFFFE0]  }
0x67: {  	v7 =	vld [tilespmem:s31+$0xFFFFFFF0]  }
0x68: {  	v8 =	vld [tilespmem:s31+$0x0]  }
0x69: {  	v9 =	vld [tilespmem:s31+$0x10]  }
0x6a: {  	v12 =	vld [tilespmem:s31+$0x20];
	v10 =	vshrl.u32 v4, $0x14  }
0x6b: {  	v13 =	vld [tilespmem:s31+$0xFFFFFFC0];
	v11 =	vshrl.u32 v5, $0x14;
	v4 =	vshrl.u32 v4, $0x6;
	v14 =	vshrl.u32 v6, $0x14  }
0x6c: {  	v15 =	vshrl.u32 v5, $0x6;
	v17 =	vshrl.u32 v7, $0x14;
	v19 =	vshrl.u32 v6, $0x6  }
0x6d: {  	v20 =	vshrl.u32 v7, $0x6;
	v21 =	vshrl.u32 v8, $0x14;
	v10 =	vand.u32 $0x7FF, v10  }
0x6e: {  	v5 =	vshrl.u32 v9, $0x6;
	v4 =	vand.u32 $0x3FF0, v4;
	vm15 =	veq.s32 v10, v3  }
0x6f: {  	v22 =	vshrl.u32 v12, $0x14;
	v6 =	vshrl.u32 v12, $0x6;
	v18 =	vor.u32 v1, v4  }
0x70: {  	v12 =	vshrl.u32 v13, $0x6;
	v7 =	vand.u32 $0x7FF, v11;
	v11 =	vand.u32 $0x7FF, v17  }
0x71: {  	v17 =	vand.u32 $0x3FF0, v15;
	v15 =	vand.u32 $0x3FF0, v19;
	v4 =	vshrl.u32 v8, $0x6  }
0x72: {  	v8 =	vshrl.u32 v9, $0x14;
	v9 =	vshrl.u32 v13, $0x14;
	v10 =	vand.u32 $0x7FF, v14  }
0x73: {  	v13 =	vand.u32 $0x3FF0, v12;
	v14 =	vand.u32 $0x3FF0, v20;
	v16 =	vand.u32 $0x7FF, v9  }
0x74: {  	s22 =	simm.s32 $0x0;
	s23 =	simm.s32 $0x80C0;
	v9 =	vand.u32 $0x7FF, v21;
	v12 =	vand.u32 $0x7FF, v8;
	v8 =	vand.u32 $0x7FF, v22;
	[tilespmem:v18+s15+$0x0] =	vst.idx.add.s32.msk vm15, v2  }
.LBB2_7:
0x75: {  	v18 =	vld [tilespmem:s23+$0x30];
	s22 =	sadd.s32 $0x8, s22;
	v4 =	vand.u32 $0x3FF0, v4;
	v5 =	vand.u32 $0x3FF0, v5;
	v6 =	vand.u32 $0x3FF0, v6  }
0x76: {  	vm6 =	veq.s32 v16, v3;
	vm5 =	veq.s32 v7, v3;
	vm4 =	veq.s32 v10, v3;
	v19 =	vld [tilespmem:s23+$0xFFFFFFD0];
	p1 =	slt.u32 s22, $0x7F8  }
0x77: {  	vm3 =	veq.s32 v11, v3;
	vm2 =	veq.s32 v9, v3;
	vm1 =	veq.s32 v12, v3;
	v7 =	vld [tilespmem:s23+$0xFFFFFFE0]  }
0x78: {  	v10 =	vor.u32 v1, v13;
	v11 =	vor.u32 v1, v17;
	vm0 =	veq.s32 v8, v3;
	v9 =	vld [tilespmem:s23+$0xFFFFFFF0]  }
0x79: {  	v12 =	vor.u32 v1, v15;
	v13 =	vor.u32 v1, v14;
	v14 =	vor.u32 v1, v4;
	v8 =	vld [tilespmem:s23+$0x0]  }
0x7a: {  	v17 =	vor.u32 v1, v5;
	v20 =	vor.u32 v1, v6;
	v15 =	vld [tilespmem:s23+$0x10];
	v4 =	vshrl.u32 v18, $0x14  }
0x7b: {  	v5 =	vshrl.u32 v18, $0x6;
	v6 =	vshrl.u32 v19, $0x14;
	v16 =	vld [tilespmem:s23+$0x20];
	v4 =	vand.u32 $0x7FF, v4  }
0x7c: {  	v18 =	vld [tilespmem:s23+$0xFFFFFFC0];
	v21 =	vshrl.u32 v7, $0x14;
	vm7 =	veq.s32 v4, v3;
	v4 =	vand.u32 $0x3FF0, v5  }
0x7d: {  	v19 =	vshrl.u32 v19, $0x6;
	v22 =	vshrl.u32 v9, $0x14;
	v23 =	vor.u32 v1, v4;
	[tilespmem:v10+s15+$0x0] =	vst.idx.add.s32.msk vm6, v2  }
0x7e: {  	v24 =	vshrl.u32 v7, $0x6;
	v25 =	vshrl.u32 v9, $0x6;
	v9 =	vshrl.u32 v8, $0x14;
	[tilespmem:v11+s15+$0x0] =	vst.idx.add.s32.msk vm5, v2  }
0x7f: {  	v4 =	vshrl.u32 v8, $0x6;
	v8 =	vshrl.u32 v15, $0x14;
	v5 =	vshrl.u32 v15, $0x6;
	[tilespmem:v12+s15+$0x0] =	vst.idx.add.s32.msk vm4, v2  }
.Ltmp4:
0x80: {  	v7 =	vand.u32 $0x7FF, v6;
	v15 =	vshrl.u32 v16, $0x14;
	v6 =	vshrl.u32 v16, $0x6;
	[tilespmem:v13+s15+$0x0] =	vst.idx.add.s32.msk vm3, v2;
	(pc) =	sbr.rel @p1 .LBB2_7-.Ltmp4, $4  }
0x81: {  	v10 =	vand.u32 $0x7FF, v21;
	v11 =	vshrl.u32 v18, $0x14;
	v12 =	vshrl.u32 v18, $0x6;
	[tilespmem:v14+s15+$0x0] =	vst.idx.add.s32.msk vm2, v2  }
0x82: {  	v9 =	vand.u32 $0x7FF, v9;
	v16 =	vand.u32 $0x7FF, v11;
	v11 =	vand.u32 $0x7FF, v22;
	[tilespmem:v23+s15+$0x0] =	vst.idx.add.s32.msk vm7, v2  }
0x83: {  	v13 =	vand.u32 $0x3FF0, v12;
	v12 =	vand.u32 $0x7FF, v8;
	v8 =	vand.u32 $0x7FF, v15;
	[tilespmem:v17+s15+$0x0] =	vst.idx.add.s32.msk vm1, v2  }
0x84: {  	s23 =	sadd.s32 $0x80, s23;
	v14 =	vand.u32 $0x3FF0, v25;
	v15 =	vand.u32 $0x3FF0, v24;
	v17 =	vand.u32 $0x3FF0, v19;
	[tilespmem:v20+s15+$0x0] =	vst.idx.add.s32.msk vm0, v2  }
0x85: {  	vm0 =	veq.s32 v16, v3  }
0x86: {  	vm1 =	veq.s32 v7, v3;
	v60 =	vor.u32 v1, v13  }
0x87: {  	vm2 =	veq.s32 v10, v3;
	v61 =	vor.u32 v1, v17  }
0x88: {  	vm3 =	veq.s32 v11, v3;
	v62 =	vor.u32 v1, v15  }
0x89: {  	v4 =	vand.u32 $0x3FF0, v4;
	vm4 =	veq.s32 v9, v3;
	v63 =	vor.u32 v1, v14  }
0x8a: {  	v5 =	vand.u32 $0x3FF0, v5;
	vm5 =	veq.s32 v12, v3;
	v4 =	vor.u32 v1, v4  }
0x8b: {  	v6 =	vand.u32 $0x3FF0, v6;
	vm6 =	veq.s32 v8, v3;
	v5 =	vor.u32 v1, v5;
	[tilespmem:v60+s15+$0x0] =	vst.idx.add.s32.msk vm0, v2  }
0x8c: {  	v6 =	vor.u32 v1, v6;
	[tilespmem:v61+s15+$0x0] =	vst.idx.add.s32.msk vm1, v2  }
.Ltmp5:
0x8d: {  	[tilespmem:v62+s15+$0x0] =	vst.idx.add.s32.msk vm2, v2;
	(pc) =	sbr.rel @p0 .LBB2_10-.Ltmp5, $4  }
0x8e: {  	[tilespmem:v63+s15+$0x0] =	vst.idx.add.s32.msk vm3, v2  }
0x8f: {  	[tilespmem:v4+s15+$0x0] =	vst.idx.add.s32.msk vm4, v2  }
0x90: {  	[tilespmem:v5+s15+$0x0] =	vst.idx.add.s32.msk vm5, v2  }
0x91: {  	[tilespmem:v6+s15+$0x0] =	vst.idx.add.s32.msk vm6, v2  }
.Ltmp6:
0x92: {  	(pc) =	sbr.rel .LBB2_4-.Ltmp6, $4  }
0x93: {  	s21 =	sadd.s32 s21, s8  }
0x94: {  	s21 =	sshrl.u32 s21, $0x3  }
0x95: {  	s20 =	sadd.s32 $0x1, s20;
	s21 =	sadd.s32 s1, s21  }
0x96: {  	[tilespmem:s13], [sflag:$0x2] =	stream.linear.gather [hbm4b:s21+s3], $0x8000, $0x38;
	[tilespmem:$0x14080] =	vst v63  }
.LBB2_11:
0x97: {  	_ =	sfence.sel $0x180000  }
0x98: {  	[bflag:$0x0] =	sbarrier.arrive $0xFFFF  }
0x99: {  	p0 =	sne.s32 s2, $0x0;
	_ =	strace $0x9000004A  }
0x9a: {  	s0 =	sadd.s32 @!p0 $0x100000, s0;
	[bflag:$0x2] =	sbarrier.arrive $0xFFFF  }
0x9b: {  	[sflag:s0] =	ssyncadd.tile.s32 @!p0 $0x1;
	_ =	shalt  }
.Lfunc_end2:
_tile_overlayer_lowered:
.L_overlay_start_2:
0x9c: {  	(tag) =	ssettag $0x2  }
0x9d: {  	s0 =	rddreg [dreg:$0x0];
	s2 =	stileid.u32  }
0x9e: {  	s1 =	rddreg [dreg:$0x1];
	p0 =	sne.s32 s2, $0x0  }
0x9f: {  	s3 =	rddreg [dreg:$0x2];
	[bflag:$0x3] =	sbarrier.arrive $0xFFFF;
	s2 =	simm.s32 @!p0 $0x1C03  }
0xa0: {  	[timem:s3], [sflag:s2] =	dma.local @!p0 [hbm:s0], s1  }
0xa1: {  	s0 =	simm.s32 @!p0 $0x3  }
0xa2: {  	_ =	swait.ge @!p0 [sflag:s0], s1  }
0xa3: {  	s1 =	ssub.s32 @!p0 $0x0, s1;
	[sflag:s0] =	ssyncset.done @!p0 $0x0  }
0xa4: {  	[sflag:s0] =	ssyncadd.s32 @!p0 s1  }
0xa5: {  	[bflag:$0x3] =	sbarrier.arrive $0xFFFF  }
0xa6: {  	_ =	shalt  }

</sc_bundles>
